<compile_context>
chip_gen: v7x
topology: tpu7x:2x2x1
jax: 0.10.2.dev20260603
libtpu: 0.0.44.dev20260713+nightly
codegen_flags: <defaults>
</compile_context>

<pallas_src>
import functools

import jax
import jax.numpy as jnp
from jax import lax
from jax.experimental import pallas as pl
from jax.experimental.pallas import tpu as pltpu
from jax.experimental.pallas import tpu_sc as plsc

B = 16384
F = 4096
L = 16
FH = F // 2

_info = plsc.get_sparse_core_info()
NC = _info.num_cores
NS = _info.num_subcores
NW = NC * NS

ROWS_PER_W = B // NW
RBLK = 8
NBUF = 2
NBLK = ROWS_PER_W // RBLK
NCHUNK_H = FH // L

_mesh = plsc.VectorSubcoreMesh(core_axis_name="c", subcore_axis_name="s")


@functools.partial(
    pl.kernel,
    mesh=_mesh,
    compiler_params=pltpu.CompilerParams(needs_layout_passes=False),
    out_type=(
        jax.ShapeDtypeStruct((B, F), jnp.float32),
        jax.ShapeDtypeStruct((B,), jnp.float32),
    ),
    scratch_types=[
        pltpu.VMEM((F,), jnp.int32),
        pltpu.VMEM((RBLK, F), jnp.float32),
        pltpu.VMEM((RBLK, F), jnp.float32),
        pltpu.VMEM((RBLK, FH), jnp.float32),
        pltpu.VMEM((RBLK, FH), jnp.float32),
        pltpu.VMEM((ROWS_PER_W,), jnp.float32),
        pltpu.SemaphoreType.DMA,
        pltpu.SemaphoreType.DMA,
        pltpu.SemaphoreType.DMA,
        pltpu.SemaphoreType.DMA,
    ],
)
def _sc_permute(x_hbm, perm_hbm, out_hbm, ld_hbm, perm_v,
                inb0, inb1, outb0, outb1, ldb, is0, is1, os0, os1):
    wid = lax.axis_index("s") * NC + lax.axis_index("c")
    base = wid * ROWS_PER_W
    inbufs, outbufs = [inb0, inb1], [outb0, outb1]
    isems, osems = [is0, is1], [os0, os1]

    pltpu.sync_copy(perm_hbm, perm_v)

    zero = jnp.zeros((L,), jnp.float32)

    def zero_body(t, carry):
        ldb[pl.ds(t * L, L)] = zero
        return carry

    lax.fori_loop(0, ROWS_PER_W // L, zero_body, 0)
    pltpu.sync_copy(ldb, ld_hbm.at[pl.ds(base, ROWS_PER_W)])

    def in_slice(g):
        return x_hbm.at[pl.ds(base + g * RBLK, RBLK)]

    def out_slice(g, h):
        return out_hbm.at[pl.ds(base + g * RBLK, RBLK), pl.ds(h * FH, FH)]

    for b in range(NBUF):
        pltpu.async_copy(in_slice(b), inbufs[b], isems[b])

    def block_body(m, carry):
        for b in range(NBUF):
            g = m * NBUF + b
            pltpu.make_async_copy(in_slice(g), inbufs[b], isems[b]).wait()
            inb = inbufs[b]

            for h in range(2):
                @pl.when(g >= 1)
                def _wait_out():
                    pltpu.make_async_copy(
                        outbufs[h], out_slice(g - 1, h), osems[h]).wait()

                outb = outbufs[h]

                @plsc.parallel_loop(0, NCHUNK_H, unroll=4)
                def chunk_body(jc):
                    pc = perm_v[pl.ds(h * FH + jc * L, L)]
                    for r in range(RBLK):
                        ridx = jnp.full((L,), r, jnp.int32)
                        outb[r, pl.ds(jc * L, L)] = plsc.load_gather(
                            inb, [ridx, pc])

                pltpu.async_copy(outb, out_slice(g, h), osems[h])

            @pl.when(g + NBUF < NBLK)
            def _next_in():
                pltpu.async_copy(in_slice(g + NBUF), inbufs[b], isems[b])
        return carry

    lax.fori_loop(0, NBLK // NBUF, block_body, 0)

    for h in range(2):
        pltpu.make_async_copy(
            outbufs[h], out_slice(NBLK - 1, h), osems[h]).wait()


def kernel(x, perm, inv_perm):
    del inv_perm
    out, log_det = _sc_permute(x, perm.astype(jnp.int32))
    return (out, log_det)

# --- scband reference (transcript-rebuilt; emitter-appended) ---
"""Pipeline reference for scband-invertible-permutation-41137196761681 (READ-ONLY COPY).

The authoritative reference and input builder live on the scoring server;
editing this copy changes nothing except your own understanding.
"""

import jax, jax.numpy as jnp
import numpy as np

NUM_FEATURES = 4096
SEED = 42

def _make_perm():
    rng = np.random.RandomState(SEED)
    perm = np.arange(NUM_FEATURES)
    rng.shuffle(perm)
    inv = np.argsort(perm)
    return jnp.asarray(perm, dtype=jnp.int64), jnp.asarray(inv, dtype=jnp.int64)

def setup_inputs(seed: int = 0) -> dict:
    key = jax.random.key(seed)
    x = jax.random.normal(key, (16384, NUM_FEATURES), dtype=jnp.float32)
    perm, inv_perm = _make_perm()
    return {"x": x, "perm": perm, "inv_perm": inv_perm}

def reference(x, perm, inv_perm):
    # forward: permute features, log_det = 0
    x_perm = jnp.take(x, perm, axis=1)
    batch_size = x.shape[0]
    log_det = jnp.zeros((batch_size,), dtype=x.dtype)
    return (x_perm, log_det)

if __name__ == "__main__":
    import jax
    _d = setup_inputs()
    print(jax.jit(kernel)(*tuple(_d.values())))

</pallas_src>

<mosaic_0001>
#map = affine_map<(d0, d1) -> (0, 0)>
#map1 = affine_map<(d0, d1) -> (0)>
module attributes {stable_mosaic.version = 14 : i64} {
  func.func @_sc_permute(%arg0: i32, %arg1: i32, %arg2: memref<16384x4096xf32, #tpu.memory_space<hbm>>, %arg3: memref<4096xi32, #tpu.memory_space<hbm>>, %arg4: memref<16384x4096xf32, #tpu.memory_space<hbm>>, %arg5: memref<16384xf32, #tpu.memory_space<hbm>>, %arg6: memref<4096xi32, #tpu.memory_space<vmem>>, %arg7: memref<8x4096xf32, #tpu.memory_space<vmem>>, %arg8: memref<8x4096xf32, #tpu.memory_space<vmem>>, %arg9: memref<8x2048xf32, #tpu.memory_space<vmem>>, %arg10: memref<8x2048xf32, #tpu.memory_space<vmem>>, %arg11: memref<512xf32, #tpu.memory_space<vmem>>, %arg12: memref<!tpu.dma_semaphore, #tpu.memory_space<semaphore_mem>>, %arg13: memref<!tpu.dma_semaphore, #tpu.memory_space<semaphore_mem>>, %arg14: memref<!tpu.dma_semaphore, #tpu.memory_space<semaphore_mem>>, %arg15: memref<!tpu.dma_semaphore, #tpu.memory_space<semaphore_mem>>) attributes {dimension_semantics = [#tpu.dimension_semantics<core_parallel>, #tpu.dimension_semantics<subcore_parallel>], iteration_bounds = array<i64: 2, 16>, scalar_prefetch = 0 : i64, scratch_operands = 10 : i64, tpu.core_type = #tpu.core_type<sc_vector_subcore>, window_params = [{transform_indices = #map}, {transform_indices = #map1}, {transform_indices = #map}, {transform_indices = #map1}]} {
    %mul3A = arith.constant 2 : i32
    %mul3A_0 = arith.muli %arg1, %mul3A : i32
    %add3A = arith.addi %mul3A_0, %arg0 : i32
    %mul3A_1 = arith.constant 512 : i32
    %mul3A_2 = arith.muli %add3A, %mul3A_1 : i32
    "tpu.region"() ({
      %run_scoped3A = tpu.sem_alloc : memref<!tpu.dma_semaphore, #tpu.memory_space<semaphore_mem>>
      tpu.enqueue_dma source(%arg3 : memref<4096xi32, #tpu.memory_space<hbm>>) target(%arg6 : memref<4096xi32, #tpu.memory_space<vmem>>) target_semaphore(%run_scoped3A : memref<!tpu.dma_semaphore, #tpu.memory_space<semaphore_mem>>)
      tpu.wait_dma2 semaphore(%run_scoped3A : memref<!tpu.dma_semaphore, #tpu.memory_space<semaphore_mem>>) src(%arg3 : memref<4096xi32, #tpu.memory_space<hbm>>) dst(%arg6 : memref<4096xi32, #tpu.memory_space<vmem>>)
      tpu.yield
    }) : () -> ()
    %broadcast_in_dim3A = arith.constant 0.000000e+00 : f32
    %broadcast_in_dim3A_3 = vector.broadcast %broadcast_in_dim3A : f32 to vector<16xf32>
    %scan3A = arith.constant 0 : i32
    %scan3A_4 = arith.constant 0 : i32
    %scan3A_5 = arith.constant 32 : i32
    %scan3A_6 = arith.addi %scan3A_4, %scan3A_5 : i32
    %scan3A_7 = arith.constant 1 : i32
    scf.for %scan3A_37 = %scan3A_4 to %scan3A_6 step %scan3A_7  : i32 {
      %mul3A_38 = arith.constant 16 : i32
      %mul3A_39 = arith.muli %scan3A_37, %mul3A_38 : i32
      %swap3A = arith.index_cast %mul3A_39 : i32 to index
      %swap3A_40 = tpu.vector_load %arg11[%swap3A] {strides = array<i32>} : memref<512xf32, #tpu.memory_space<vmem>>, vector<16xf32>,
      tpu.vector_store %arg11[%swap3A], %broadcast_in_dim3A_3 {strides = array<i32>} : memref<512xf32, #tpu.memory_space<vmem>>, vector<16xf32>,
    }
    %scan3A_8 = arith.constant 32 : i32
    "tpu.region"() ({
      %run_scoped3A = tpu.sem_alloc : memref<!tpu.dma_semaphore, #tpu.memory_space<semaphore_mem>>
      %dma_start3A_37 = tpu.memref_slice %arg5[%mul3A_2] : memref<16384xf32, #tpu.memory_space<hbm>> -> memref<512xf32, #tpu.memory_space<hbm>>
      %dma_start3A_38 = tpu.memref_slice %arg5[%mul3A_2] : memref<16384xf32, #tpu.memory_space<hbm>> -> memref<512xf32, #tpu.memory_space<hbm>>
      tpu.enqueue_dma source(%arg11 : memref<512xf32, #tpu.memory_space<vmem>>) target(%dma_start3A_38 : memref<512xf32, #tpu.memory_space<hbm>>) target_semaphore(%run_scoped3A : memref<!tpu.dma_semaphore, #tpu.memory_space<semaphore_mem>>)
      %dma_wait3A_39 = tpu.memref_slice %arg5[%mul3A_2] : memref<16384xf32, #tpu.memory_space<hbm>> -> memref<512xf32, #tpu.memory_space<hbm>>
      %dma_wait3A_40 = tpu.memref_slice %arg5[%mul3A_2] : memref<16384xf32, #tpu.memory_space<hbm>> -> memref<512xf32, #tpu.memory_space<hbm>>
      tpu.wait_dma2 semaphore(%run_scoped3A : memref<!tpu.dma_semaphore, #tpu.memory_space<semaphore_mem>>) src(%arg11 : memref<512xf32, #tpu.memory_space<vmem>>) dst(%dma_wait3A_40 : memref<512xf32, #tpu.memory_space<hbm>>)
      tpu.yield
    }) : () -> ()
    %add3A_9 = arith.constant 0 : i32
    %add3A_10 = arith.addi %mul3A_2, %add3A_9 : i32
    %dma_start3A = arith.constant 0 : i32
    %dma_start3A_11 = tpu.memref_slice %arg2[%add3A_10, %dma_start3A] : memref<16384x4096xf32, #tpu.memory_space<hbm>> -> memref<8x4096xf32, #tpu.memory_space<hbm>>
    %dma_start3A_12 = arith.constant 0 : i32
    %dma_start3A_13 = tpu.memref_slice %arg2[%add3A_10, %dma_start3A_12] : memref<16384x4096xf32, #tpu.memory_space<hbm>> -> memref<8x4096xf32, #tpu.memory_space<hbm>>
    tpu.enqueue_dma source(%dma_start3A_13 : memref<8x4096xf32, #tpu.memory_space<hbm>>) target(%arg7 : memref<8x4096xf32, #tpu.memory_space<vmem>>) target_semaphore(%arg12 : memref<!tpu.dma_semaphore, #tpu.memory_space<semaphore_mem>>)
    %add3A_14 = arith.constant 8 : i32
    %add3A_15 = arith.addi %mul3A_2, %add3A_14 : i32
    %dma_start3A_16 = arith.constant 0 : i32
    %dma_start3A_17 = tpu.memref_slice %arg2[%add3A_15, %dma_start3A_16] : memref<16384x4096xf32, #tpu.memory_space<hbm>> -> memref<8x4096xf32, #tpu.memory_space<hbm>>
    %dma_start3A_18 = arith.constant 0 : i32
    %dma_start3A_19 = tpu.memref_slice %arg2[%add3A_15, %dma_start3A_18] : memref<16384x4096xf32, #tpu.memory_space<hbm>> -> memref<8x4096xf32, #tpu.memory_space<hbm>>
    tpu.enqueue_dma source(%dma_start3A_19 : memref<8x4096xf32, #tpu.memory_space<hbm>>) target(%arg8 : memref<8x4096xf32, #tpu.memory_space<vmem>>) target_semaphore(%arg13 : memref<!tpu.dma_semaphore, #tpu.memory_space<semaphore_mem>>)
    %scan3A_20 = arith.constant 0 : i32
    %scan3A_21 = arith.constant 0 : i32
    %scan3A_22 = arith.constant 32 : i32
    %scan3A_23 = arith.addi %scan3A_21, %scan3A_22 : i32
    %scan3A_24 = arith.constant 1 : i32
    scf.for %scan3A_37 = %scan3A_21 to %scan3A_23 step %scan3A_24  : i32 {
      %mul3A_38 = arith.constant 2 : i32
      %mul3A_39 = arith.muli %scan3A_37, %mul3A_38 : i32
      %add3A_40 = arith.constant 0 : i32
      %add3A_41 = arith.addi %mul3A_39, %add3A_40 : i32
      %mul3A_42 = arith.constant 8 : i32
      %mul3A_43 = arith.muli %add3A_41, %mul3A_42 : i32
      %add3A_44 = arith.addi %mul3A_2, %mul3A_43 : i32
      %dma_wait3A_45 = arith.constant 0 : i32
      %dma_wait3A_46 = tpu.memref_slice %arg2[%add3A_44, %dma_wait3A_45] : memref<16384x4096xf32, #tpu.memory_space<hbm>> -> memref<8x4096xf32, #tpu.memory_space<hbm>>
      %dma_wait3A_47 = arith.constant 0 : i32
      %dma_wait3A_48 = tpu.memref_slice %arg2[%add3A_44, %dma_wait3A_47] : memref<16384x4096xf32, #tpu.memory_space<hbm>> -> memref<8x4096xf32, #tpu.memory_space<hbm>>
      tpu.wait_dma2 semaphore(%arg12 : memref<!tpu.dma_semaphore, #tpu.memory_space<semaphore_mem>>) src(%dma_wait3A_48 : memref<8x4096xf32, #tpu.memory_space<hbm>>) dst(%arg7 : memref<8x4096xf32, #tpu.memory_space<vmem>>)
      %ge3A = arith.constant 1 : i32
      %ge3A_49 = arith.cmpi sge, %add3A_41, %ge3A : i32
      %convert_element_type3A = arith.extui %ge3A_49 : i1 to i32
      %cond3A = arith.constant 0 : i32
      %cond3A_50 = arith.cmpi ne, %convert_element_type3A, %cond3A : i32
      scf.if %cond3A_50 {
        %sub3A = arith.constant 1 : i32
        %sub3A_129 = arith.subi %add3A_41, %sub3A : i32
        %mul3A_130 = arith.constant 8 : i32
        %mul3A_131 = arith.muli %sub3A_129, %mul3A_130 : i32
        %add3A_132 = arith.addi %mul3A_2, %mul3A_131 : i32
        %dma_wait3A_133 = arith.constant 0 : i32
        %dma_wait3A_134 = tpu.memref_slice %arg4[%add3A_132, %dma_wait3A_133] : memref<16384x4096xf32, #tpu.memory_space<hbm>> -> memref<8x2048xf32, #tpu.memory_space<hbm>>
        %dma_wait3A_135 = arith.constant 0 : i32
        %dma_wait3A_136 = tpu.memref_slice %arg4[%add3A_132, %dma_wait3A_135] : memref<16384x4096xf32, #tpu.memory_space<hbm>> -> memref<8x2048xf32, #tpu.memory_space<hbm>>
        tpu.wait_dma2 semaphore(%arg14 : memref<!tpu.dma_semaphore, #tpu.memory_space<semaphore_mem>>) src(%arg9 : memref<8x2048xf32, #tpu.memory_space<vmem>>) dst(%dma_wait3A_136 : memref<8x2048xf32, #tpu.memory_space<hbm>>)
      } else {
      }
      %parallel_loop3A = arith.constant 0 : i32
      %parallel_loop3A_51 = arith.constant 128 : i32
      %parallel_loop3A_52 = arith.constant 1 : i32
      scf.for %parallel_loop3A_129 = %parallel_loop3A to %parallel_loop3A_51 step %parallel_loop3A_52  : i32 {
        %parallel_loop3A_130 = arith.constant 16 : i32
        %parallel_loop3A_131 = arith.muli %parallel_loop3A_129, %parallel_loop3A_130 : i32
        %parallel_loop3A_132 = arith.constant 0 : i32
        %parallel_loop3A_133 = arith.addi %parallel_loop3A_132, %parallel_loop3A_131 : i32
        %parallel_loop3A_134 = arith.index_cast %parallel_loop3A_133 : i32 to index
        %parallel_loop3A_135 = tpu.vector_load %arg6[%parallel_loop3A_134] {strides = array<i32>} : memref<4096xi32, #tpu.memory_space<vmem>>, vector<16xi32>,
        %parallel_loop3A_136 = arith.constant 0 : i32
        %parallel_loop3A_137 = vector.broadcast %parallel_loop3A_136 : i32 to vector<16xi32>
        %parallel_loop3A_138 = tpu.vector_load_idx %arg7[%parallel_loop3A_137, %parallel_loop3A_135] : memref<8x4096xf32, #tpu.memory_space<vmem>>[vector<16xi32>, vector<16xi32>], vector<16xf32>,
        %parallel_loop3A_139 = arith.constant 16 : i32
        %parallel_loop3A_140 = arith.muli %parallel_loop3A_129, %parallel_loop3A_139 : i32
        %parallel_loop3A_141 = arith.constant 0 : i32
        %parallel_loop3A_142 = arith.index_cast %parallel_loop3A_141 : i32 to index
        %parallel_loop3A_143 = arith.index_cast %parallel_loop3A_140 : i32 to index
        %parallel_loop3A_144 = tpu.vector_load %arg9[%parallel_loop3A_142, %parallel_loop3A_143] {strides = array<i32>} : memref<8x2048xf32, #tpu.memory_space<vmem>>, vector<16xf32>,
        tpu.vector_store %arg9[%parallel_loop3A_142, %parallel_loop3A_143], %parallel_loop3A_138 {strides = array<i32>} : memref<8x2048xf32, #tpu.memory_space<vmem>>, vector<16xf32>,
        %parallel_loop3A_145 = arith.constant 1 : i32
        %parallel_loop3A_146 = vector.broadcast %parallel_loop3A_145 : i32 to vector<16xi32>
        %parallel_loop3A_147 = tpu.vector_load_idx %arg7[%parallel_loop3A_146, %parallel_loop3A_135] : memref<8x4096xf32, #tpu.memory_space<vmem>>[vector<16xi32>, vector<16xi32>], vector<16xf32>,
        %parallel_loop3A_148 = arith.constant 16 : i32
        %parallel_loop3A_149 = arith.muli %parallel_loop3A_129, %parallel_loop3A_148 : i32
        %parallel_loop3A_150 = arith.constant 1 : i32
        %parallel_loop3A_151 = arith.index_cast %parallel_loop3A_150 : i32 to index
        %parallel_loop3A_152 = arith.index_cast %parallel_loop3A_149 : i32 to index
        %parallel_loop3A_153 = tpu.vector_load %arg9[%parallel_loop3A_151, %parallel_loop3A_152] {strides = array<i32>} : memref<8x2048xf32, #tpu.memory_space<vmem>>, vector<16xf32>,
        tpu.vector_store %arg9[%parallel_loop3A_151, %parallel_loop3A_152], %parallel_loop3A_147 {strides = array<i32>} : memref<8x2048xf32, #tpu.memory_space<vmem>>, vector<16xf32>,
        %parallel_loop3A_154 = arith.constant 2 : i32
        %parallel_loop3A_155 = vector.broadcast %parallel_loop3A_154 : i32 to vector<16xi32>
        %parallel_loop3A_156 = tpu.vector_load_idx %arg7[%parallel_loop3A_155, %parallel_loop3A_135] : memref<8x4096xf32, #tpu.memory_space<vmem>>[vector<16xi32>, vector<16xi32>], vector<16xf32>,
        %parallel_loop3A_157 = arith.constant 16 : i32
        %parallel_loop3A_158 = arith.muli %parallel_loop3A_129, %parallel_loop3A_157 : i32
        %parallel_loop3A_159 = arith.constant 2 : i32
        %parallel_loop3A_160 = arith.index_cast %parallel_loop3A_159 : i32 to index
        %parallel_loop3A_161 = arith.index_cast %parallel_loop3A_158 : i32 to index
        %parallel_loop3A_162 = tpu.vector_load %arg9[%parallel_loop3A_160, %parallel_loop3A_161] {strides = array<i32>} : memref<8x2048xf32, #tpu.memory_space<vmem>>, vector<16xf32>,
        tpu.vector_store %arg9[%parallel_loop3A_160, %parallel_loop3A_161], %parallel_loop3A_156 {strides = array<i32>} : memref<8x2048xf32, #tpu.memory_space<vmem>>, vector<16xf32>,
        %parallel_loop3A_163 = arith.constant 3 : i32
        %parallel_loop3A_164 = vector.broadcast %parallel_loop3A_163 : i32 to vector<16xi32>
        %parallel_loop3A_165 = tpu.vector_load_idx %arg7[%parallel_loop3A_164, %parallel_loop3A_135] : memref<8x4096xf32, #tpu.memory_space<vmem>>[vector<16xi32>, vector<16xi32>], vector<16xf32>,
        %parallel_loop3A_166 = arith.constant 16 : i32
        %parallel_loop3A_167 = arith.muli %parallel_loop3A_129, %parallel_loop3A_166 : i32
        %parallel_loop3A_168 = arith.constant 3 : i32
        %parallel_loop3A_169 = arith.index_cast %parallel_loop3A_168 : i32 to index
        %parallel_loop3A_170 = arith.index_cast %parallel_loop3A_167 : i32 to index
        %parallel_loop3A_171 = tpu.vector_load %arg9[%parallel_loop3A_169, %parallel_loop3A_170] {strides = array<i32>} : memref<8x2048xf32, #tpu.memory_space<vmem>>, vector<16xf32>,
        tpu.vector_store %arg9[%parallel_loop3A_169, %parallel_loop3A_170], %parallel_loop3A_165 {strides = array<i32>} : memref<8x2048xf32, #tpu.memory_space<vmem>>, vector<16xf32>,
        %parallel_loop3A_172 = arith.constant 4 : i32
        %parallel_loop3A_173 = vector.broadcast %parallel_loop3A_172 : i32 to vector<16xi32>
        %parallel_loop3A_174 = tpu.vector_load_idx %arg7[%parallel_loop3A_173, %parallel_loop3A_135] : memref<8x4096xf32, #tpu.memory_space<vmem>>[vector<16xi32>, vector<16xi32>], vector<16xf32>,
        %parallel_loop3A_175 = arith.constant 16 : i32
        %parallel_loop3A_176 = arith.muli %parallel_loop3A_129, %parallel_loop3A_175 : i32
        %parallel_loop3A_177 = arith.constant 4 : i32
        %parallel_loop3A_178 = arith.index_cast %parallel_loop3A_177 : i32 to index
        %parallel_loop3A_179 = arith.index_cast %parallel_loop3A_176 : i32 to index
        %parallel_loop3A_180 = tpu.vector_load %arg9[%parallel_loop3A_178, %parallel_loop3A_179] {strides = array<i32>} : memref<8x2048xf32, #tpu.memory_space<vmem>>, vector<16xf32>,
        tpu.vector_store %arg9[%parallel_loop3A_178, %parallel_loop3A_179], %parallel_loop3A_174 {strides = array<i32>} : memref<8x2048xf32, #tpu.memory_space<vmem>>, vector<16xf32>,
        %parallel_loop3A_181 = arith.constant 5 : i32
        %parallel_loop3A_182 = vector.broadcast %parallel_loop3A_181 : i32 to vector<16xi32>
        %parallel_loop3A_183 = tpu.vector_load_idx %arg7[%parallel_loop3A_182, %parallel_loop3A_135] : memref<8x4096xf32, #tpu.memory_space<vmem>>[vector<16xi32>, vector<16xi32>], vector<16xf32>,
        %parallel_loop3A_184 = arith.constant 16 : i32
        %parallel_loop3A_185 = arith.muli %parallel_loop3A_129, %parallel_loop3A_184 : i32
        %parallel_loop3A_186 = arith.constant 5 : i32
        %parallel_loop3A_187 = arith.index_cast %parallel_loop3A_186 : i32 to index
        %parallel_loop3A_188 = arith.index_cast %parallel_loop3A_185 : i32 to index
        %parallel_loop3A_189 = tpu.vector_load %arg9[%parallel_loop3A_187, %parallel_loop3A_188] {strides = array<i32>} : memref<8x2048xf32, #tpu.memory_space<vmem>>, vector<16xf32>,
        tpu.vector_store %arg9[%parallel_loop3A_187, %parallel_loop3A_188], %parallel_loop3A_183 {strides = array<i32>} : memref<8x2048xf32, #tpu.memory_space<vmem>>, vector<16xf32>,
        %parallel_loop3A_190 = arith.constant 6 : i32
        %parallel_loop3A_191 = vector.broadcast %parallel_loop3A_190 : i32 to vector<16xi32>
        %parallel_loop3A_192 = tpu.vector_load_idx %arg7[%parallel_loop3A_191, %parallel_loop3A_135] : memref<8x4096xf32, #tpu.memory_space<vmem>>[vector<16xi32>, vector<16xi32>], vector<16xf32>,
        %parallel_loop3A_193 = arith.constant 16 : i32
        %parallel_loop3A_194 = arith.muli %parallel_loop3A_129, %parallel_loop3A_193 : i32
        %parallel_loop3A_195 = arith.constant 6 : i32
        %parallel_loop3A_196 = arith.index_cast %parallel_loop3A_195 : i32 to index
        %parallel_loop3A_197 = arith.index_cast %parallel_loop3A_194 : i32 to index
        %parallel_loop3A_198 = tpu.vector_load %arg9[%parallel_loop3A_196, %parallel_loop3A_197] {strides = array<i32>} : memref<8x2048xf32, #tpu.memory_space<vmem>>, vector<16xf32>,
        tpu.vector_store %arg9[%parallel_loop3A_196, %parallel_loop3A_197], %parallel_loop3A_192 {strides = array<i32>} : memref<8x2048xf32, #tpu.memory_space<vmem>>, vector<16xf32>,
        %parallel_loop3A_199 = arith.constant 7 : i32
        %parallel_loop3A_200 = vector.broadcast %parallel_loop3A_199 : i32 to vector<16xi32>
        %parallel_loop3A_201 = tpu.vector_load_idx %arg7[%parallel_loop3A_200, %parallel_loop3A_135] : memref<8x4096xf32, #tpu.memory_space<vmem>>[vector<16xi32>, vector<16xi32>], vector<16xf32>,
        %parallel_loop3A_202 = arith.constant 16 : i32
        %parallel_loop3A_203 = arith.muli %parallel_loop3A_129, %parallel_loop3A_202 : i32
        %parallel_loop3A_204 = arith.constant 7 : i32
        %parallel_loop3A_205 = arith.index_cast %parallel_loop3A_204 : i32 to index
        %parallel_loop3A_206 = arith.index_cast %parallel_loop3A_203 : i32 to index
        %parallel_loop3A_207 = tpu.vector_load %arg9[%parallel_loop3A_205, %parallel_loop3A_206] {strides = array<i32>} : memref<8x2048xf32, #tpu.memory_space<vmem>>, vector<16xf32>,
        tpu.vector_store %arg9[%parallel_loop3A_205, %parallel_loop3A_206], %parallel_loop3A_201 {strides = array<i32>} : memref<8x2048xf32, #tpu.memory_space<vmem>>, vector<16xf32>,
      } {sc.loop_unroll_factor = 4 : i64, sc.parallel_access}
      %mul3A_53 = arith.constant 8 : i32
      %mul3A_54 = arith.muli %add3A_41, %mul3A_53 : i32
      %add3A_55 = arith.addi %mul3A_2, %mul3A_54 : i32
      %dma_start3A_56 = arith.constant 0 : i32
      %dma_start3A_57 = tpu.memref_slice %arg4[%add3A_55, %dma_start3A_56] : memref<16384x4096xf32, #tpu.memory_space<hbm>> -> memref<8x2048xf32, #tpu.memory_space<hbm>>
      %dma_start3A_58 = arith.constant 0 : i32
      %dma_start3A_59 = tpu.memref_slice %arg4[%add3A_55, %dma_start3A_58] : memref<16384x4096xf32, #tpu.memory_space<hbm>> -> memref<8x2048xf32, #tpu.memory_space<hbm>>
      tpu.enqueue_dma source(%arg9 : memref<8x2048xf32, #tpu.memory_space<vmem>>) target(%dma_start3A_59 : memref<8x2048xf32, #tpu.memory_space<hbm>>) target_semaphore(%arg14 : memref<!tpu.dma_semaphore, #tpu.memory_space<semaphore_mem>>)
      %ge3A_60 = arith.constant 1 : i32
      %ge3A_61 = arith.cmpi sge, %add3A_41, %ge3A_60 : i32
      %convert_element_type3A_62 = arith.extui %ge3A_61 : i1 to i32
      %cond3A_63 = arith.constant 0 : i32
      %cond3A_64 = arith.cmpi ne, %convert_element_type3A_62, %cond3A_63 : i32
      scf.if %cond3A_64 {
        %sub3A = arith.constant 1 : i32
        %sub3A_129 = arith.subi %add3A_41, %sub3A : i32
        %mul3A_130 = arith.constant 8 : i32
        %mul3A_131 = arith.muli %sub3A_129, %mul3A_130 : i32
        %add3A_132 = arith.addi %mul3A_2, %mul3A_131 : i32
        %dma_wait3A_133 = arith.constant 2048 : i32
        %dma_wait3A_134 = tpu.memref_slice %arg4[%add3A_132, %dma_wait3A_133] : memref<16384x4096xf32, #tpu.memory_space<hbm>> -> memref<8x2048xf32, #tpu.memory_space<hbm>>
        %dma_wait3A_135 = arith.constant 2048 : i32
        %dma_wait3A_136 = tpu.memref_slice %arg4[%add3A_132, %dma_wait3A_135] : memref<16384x4096xf32, #tpu.memory_space<hbm>> -> memref<8x2048xf32, #tpu.memory_space<hbm>>
        tpu.wait_dma2 semaphore(%arg15 : memref<!tpu.dma_semaphore, #tpu.memory_space<semaphore_mem>>) src(%arg10 : memref<8x2048xf32, #tpu.memory_space<vmem>>) dst(%dma_wait3A_136 : memref<8x2048xf32, #tpu.memory_space<hbm>>)
      } else {
      }
      %parallel_loop3A_65 = arith.constant 0 : i32
      %parallel_loop3A_66 = arith.constant 128 : i32
      %parallel_loop3A_67 = arith.constant 1 : i32
      scf.for %parallel_loop3A_129 = %parallel_loop3A_65 to %parallel_loop3A_66 step %parallel_loop3A_67  : i32 {
        %parallel_loop3A_130 = arith.constant 16 : i32
        %parallel_loop3A_131 = arith.muli %parallel_loop3A_129, %parallel_loop3A_130 : i32
        %parallel_loop3A_132 = arith.constant 2048 : i32
        %parallel_loop3A_133 = arith.addi %parallel_loop3A_132, %parallel_loop3A_131 : i32
        %parallel_loop3A_134 = arith.index_cast %parallel_loop3A_133 : i32 to index
        %parallel_loop3A_135 = tpu.vector_load %arg6[%parallel_loop3A_134] {strides = array<i32>} : memref<4096xi32, #tpu.memory_space<vmem>>, vector<16xi32>,
        %parallel_loop3A_136 = arith.constant 0 : i32
        %parallel_loop3A_137 = vector.broadcast %parallel_loop3A_136 : i32 to vector<16xi32>
        %parallel_loop3A_138 = tpu.vector_load_idx %arg7[%parallel_loop3A_137, %parallel_loop3A_135] : memref<8x4096xf32, #tpu.memory_space<vmem>>[vector<16xi32>, vector<16xi32>], vector<16xf32>,
        %parallel_loop3A_139 = arith.constant 16 : i32
        %parallel_loop3A_140 = arith.muli %parallel_loop3A_129, %parallel_loop3A_139 : i32
        %parallel_loop3A_141 = arith.constant 0 : i32
        %parallel_loop3A_142 = arith.index_cast %parallel_loop3A_141 : i32 to index
        %parallel_loop3A_143 = arith.index_cast %parallel_loop3A_140 : i32 to index
        %parallel_loop3A_144 = tpu.vector_load %arg10[%parallel_loop3A_142, %parallel_loop3A_143] {strides = array<i32>} : memref<8x2048xf32, #tpu.memory_space<vmem>>, vector<16xf32>,
        tpu.vector_store %arg10[%parallel_loop3A_142, %parallel_loop3A_143], %parallel_loop3A_138 {strides = array<i32>} : memref<8x2048xf32, #tpu.memory_space<vmem>>, vector<16xf32>,
        %parallel_loop3A_145 = arith.constant 1 : i32
        %parallel_loop3A_146 = vector.broadcast %parallel_loop3A_145 : i32 to vector<16xi32>
        %parallel_loop3A_147 = tpu.vector_load_idx %arg7[%parallel_loop3A_146, %parallel_loop3A_135] : memref<8x4096xf32, #tpu.memory_space<vmem>>[vector<16xi32>, vector<16xi32>], vector<16xf32>,
        %parallel_loop3A_148 = arith.constant 16 : i32
        %parallel_loop3A_149 = arith.muli %parallel_loop3A_129, %parallel_loop3A_148 : i32
        %parallel_loop3A_150 = arith.constant 1 : i32
        %parallel_loop3A_151 = arith.index_cast %parallel_loop3A_150 : i32 to index
        %parallel_loop3A_152 = arith.index_cast %parallel_loop3A_149 : i32 to index
        %parallel_loop3A_153 = tpu.vector_load %arg10[%parallel_loop3A_151, %parallel_loop3A_152] {strides = array<i32>} : memref<8x2048xf32, #tpu.memory_space<vmem>>, vector<16xf32>,
        tpu.vector_store %arg10[%parallel_loop3A_151, %parallel_loop3A_152], %parallel_loop3A_147 {strides = array<i32>} : memref<8x2048xf32, #tpu.memory_space<vmem>>, vector<16xf32>,
        %parallel_loop3A_154 = arith.constant 2 : i32
        %parallel_loop3A_155 = vector.broadcast %parallel_loop3A_154 : i32 to vector<16xi32>
        %parallel_loop3A_156 = tpu.vector_load_idx %arg7[%parallel_loop3A_155, %parallel_loop3A_135] : memref<8x4096xf32, #tpu.memory_space<vmem>>[vector<16xi32>, vector<16xi32>], vector<16xf32>,
        %parallel_loop3A_157 = arith.constant 16 : i32
        %parallel_loop3A_158 = arith.muli %parallel_loop3A_129, %parallel_loop3A_157 : i32
        %parallel_loop3A_159 = arith.constant 2 : i32
        %parallel_loop3A_160 = arith.index_cast %parallel_loop3A_159 : i32 to index
        %parallel_loop3A_161 = arith.index_cast %parallel_loop3A_158 : i32 to index
        %parallel_loop3A_162 = tpu.vector_load %arg10[%parallel_loop3A_160, %parallel_loop3A_161] {strides = array<i32>} : memref<8x2048xf32, #tpu.memory_space<vmem>>, vector<16xf32>,
        tpu.vector_store %arg10[%parallel_loop3A_160, %parallel_loop3A_161], %parallel_loop3A_156 {strides = array<i32>} : memref<8x2048xf32, #tpu.memory_space<vmem>>, vector<16xf32>,
        %parallel_loop3A_163 = arith.constant 3 : i32
        %parallel_loop3A_164 = vector.broadcast %parallel_loop3A_163 : i32 to vector<16xi32>
        %parallel_loop3A_165 = tpu.vector_load_idx %arg7[%parallel_loop3A_164, %parallel_loop3A_135] : memref<8x4096xf32, #tpu.memory_space<vmem>>[vector<16xi32>, vector<16xi32>], vector<16xf32>,
        %parallel_loop3A_166 = arith.constant 16 : i32
        %parallel_loop3A_167 = arith.muli %parallel_loop3A_129, %parallel_loop3A_166 : i32
        %parallel_loop3A_168 = arith.constant 3 : i32
        %parallel_loop3A_169 = arith.index_cast %parallel_loop3A_168 : i32 to index
        %parallel_loop3A_170 = arith.index_cast %parallel_loop3A_167 : i32 to index
        %parallel_loop3A_171 = tpu.vector_load %arg10[%parallel_loop3A_169, %parallel_loop3A_170] {strides = array<i32>} : memref<8x2048xf32, #tpu.memory_space<vmem>>, vector<16xf32>,
        tpu.vector_store %arg10[%parallel_loop3A_169, %parallel_loop3A_170], %parallel_loop3A_165 {strides = array<i32>} : memref<8x2048xf32, #tpu.memory_space<vmem>>, vector<16xf32>,
        %parallel_loop3A_172 = arith.constant 4 : i32
        %parallel_loop3A_173 = vector.broadcast %parallel_loop3A_172 : i32 to vector<16xi32>
        %parallel_loop3A_174 = tpu.vector_load_idx %arg7[%parallel_loop3A_173, %parallel_loop3A_135] : memref<8x4096xf32, #tpu.memory_space<vmem>>[vector<16xi32>, vector<16xi32>], vector<16xf32>,
        %parallel_loop3A_175 = arith.constant 16 : i32
        %parallel_loop3A_176 = arith.muli %parallel_loop3A_129, %parallel_loop3A_175 : i32
        %parallel_loop3A_177 = arith.constant 4 : i32
        %parallel_loop3A_178 = arith.index_cast %parallel_loop3A_177 : i32 to index
        %parallel_loop3A_179 = arith.index_cast %parallel_loop3A_176 : i32 to index
        %parallel_loop3A_180 = tpu.vector_load %arg10[%parallel_loop3A_178, %parallel_loop3A_179] {strides = array<i32>} : memref<8x2048xf32, #tpu.memory_space<vmem>>, vector<16xf32>,
        tpu.vector_store %arg10[%parallel_loop3A_178, %parallel_loop3A_179], %parallel_loop3A_174 {strides = array<i32>} : memref<8x2048xf32, #tpu.memory_space<vmem>>, vector<16xf32>,
        %parallel_loop3A_181 = arith.constant 5 : i32
        %parallel_loop3A_182 = vector.broadcast %parallel_loop3A_181 : i32 to vector<16xi32>
        %parallel_loop3A_183 = tpu.vector_load_idx %arg7[%parallel_loop3A_182, %parallel_loop3A_135] : memref<8x4096xf32, #tpu.memory_space<vmem>>[vector<16xi32>, vector<16xi32>], vector<16xf32>,
        %parallel_loop3A_184 = arith.constant 16 : i32
        %parallel_loop3A_185 = arith.muli %parallel_loop3A_129, %parallel_loop3A_184 : i32
        %parallel_loop3A_186 = arith.constant 5 : i32
        %parallel_loop3A_187 = arith.index_cast %parallel_loop3A_186 : i32 to index
        %parallel_loop3A_188 = arith.index_cast %parallel_loop3A_185 : i32 to index
        %parallel_loop3A_189 = tpu.vector_load %arg10[%parallel_loop3A_187, %parallel_loop3A_188] {strides = array<i32>} : memref<8x2048xf32, #tpu.memory_space<vmem>>, vector<16xf32>,
        tpu.vector_store %arg10[%parallel_loop3A_187, %parallel_loop3A_188], %parallel_loop3A_183 {strides = array<i32>} : memref<8x2048xf32, #tpu.memory_space<vmem>>, vector<16xf32>,
        %parallel_loop3A_190 = arith.constant 6 : i32
        %parallel_loop3A_191 = vector.broadcast %parallel_loop3A_190 : i32 to vector<16xi32>
        %parallel_loop3A_192 = tpu.vector_load_idx %arg7[%parallel_loop3A_191, %parallel_loop3A_135] : memref<8x4096xf32, #tpu.memory_space<vmem>>[vector<16xi32>, vector<16xi32>], vector<16xf32>,
        %parallel_loop3A_193 = arith.constant 16 : i32
        %parallel_loop3A_194 = arith.muli %parallel_loop3A_129, %parallel_loop3A_193 : i32
        %parallel_loop3A_195 = arith.constant 6 : i32
        %parallel_loop3A_196 = arith.index_cast %parallel_loop3A_195 : i32 to index
        %parallel_loop3A_197 = arith.index_cast %parallel_loop3A_194 : i32 to index
        %parallel_loop3A_198 = tpu.vector_load %arg10[%parallel_loop3A_196, %parallel_loop3A_197] {strides = array<i32>} : memref<8x2048xf32, #tpu.memory_space<vmem>>, vector<16xf32>,
        tpu.vector_store %arg10[%parallel_loop3A_196, %parallel_loop3A_197], %parallel_loop3A_192 {strides = array<i32>} : memref<8x2048xf32, #tpu.memory_space<vmem>>, vector<16xf32>,
        %parallel_loop3A_199 = arith.constant 7 : i32
        %parallel_loop3A_200 = vector.broadcast %parallel_loop3A_199 : i32 to vector<16xi32>
        %parallel_loop3A_201 = tpu.vector_load_idx %arg7[%parallel_loop3A_200, %parallel_loop3A_135] : memref<8x4096xf32, #tpu.memory_space<vmem>>[vector<16xi32>, vector<16xi32>], vector<16xf32>,
        %parallel_loop3A_202 = arith.constant 16 : i32
        %parallel_loop3A_203 = arith.muli %parallel_loop3A_129, %parallel_loop3A_202 : i32
        %parallel_loop3A_204 = arith.constant 7 : i32
        %parallel_loop3A_205 = arith.index_cast %parallel_loop3A_204 : i32 to index
        %parallel_loop3A_206 = arith.index_cast %parallel_loop3A_203 : i32 to index
        %parallel_loop3A_207 = tpu.vector_load %arg10[%parallel_loop3A_205, %parallel_loop3A_206] {strides = array<i32>} : memref<8x2048xf32, #tpu.memory_space<vmem>>, vector<16xf32>,
        tpu.vector_store %arg10[%parallel_loop3A_205, %parallel_loop3A_206], %parallel_loop3A_201 {strides = array<i32>} : memref<8x2048xf32, #tpu.memory_space<vmem>>, vector<16xf32>,
      } {sc.loop_unroll_factor = 4 : i64, sc.parallel_access}
      %mul3A_68 = arith.constant 8 : i32
      %mul3A_69 = arith.muli %add3A_41, %mul3A_68 : i32
      %add3A_70 = arith.addi %mul3A_2, %mul3A_69 : i32
      %dma_start3A_71 = arith.constant 2048 : i32
      %dma_start3A_72 = tpu.memref_slice %arg4[%add3A_70, %dma_start3A_71] : memref<16384x4096xf32, #tpu.memory_space<hbm>> -> memref<8x2048xf32, #tpu.memory_space<hbm>>
      %dma_start3A_73 = arith.constant 2048 : i32
      %dma_start3A_74 = tpu.memref_slice %arg4[%add3A_70, %dma_start3A_73] : memref<16384x4096xf32, #tpu.memory_space<hbm>> -> memref<8x2048xf32, #tpu.memory_space<hbm>>
      tpu.enqueue_dma source(%arg10 : memref<8x2048xf32, #tpu.memory_space<vmem>>) target(%dma_start3A_74 : memref<8x2048xf32, #tpu.memory_space<hbm>>) target_semaphore(%arg15 : memref<!tpu.dma_semaphore, #tpu.memory_space<semaphore_mem>>)
      %add3A_75 = arith.constant 2 : i32
      %add3A_76 = arith.addi %add3A_41, %add3A_75 : i32
      %lt3A = arith.constant 64 : i32
      %lt3A_77 = arith.cmpi slt, %add3A_76, %lt3A : i32
      %convert_element_type3A_78 = arith.extui %lt3A_77 : i1 to i32
      %cond3A_79 = arith.constant 0 : i32
      %cond3A_80 = arith.cmpi ne, %convert_element_type3A_78, %cond3A_79 : i32
      scf.if %cond3A_80 {
        %add3A_129 = arith.constant 2 : i32
        %add3A_130 = arith.addi %add3A_41, %add3A_129 : i32
        %mul3A_131 = arith.constant 8 : i32
        %mul3A_132 = arith.muli %add3A_130, %mul3A_131 : i32
        %add3A_133 = arith.addi %mul3A_2, %mul3A_132 : i32
        %dma_start3A_134 = arith.constant 0 : i32
        %dma_start3A_135 = tpu.memref_slice %arg2[%add3A_133, %dma_start3A_134] : memref<16384x4096xf32, #tpu.memory_space<hbm>> -> memref<8x4096xf32, #tpu.memory_space<hbm>>
        %dma_start3A_136 = arith.constant 0 : i32
        %dma_start3A_137 = tpu.memref_slice %arg2[%add3A_133, %dma_start3A_136] : memref<16384x4096xf32, #tpu.memory_space<hbm>> -> memref<8x4096xf32, #tpu.memory_space<hbm>>
        tpu.enqueue_dma source(%dma_start3A_137 : memref<8x4096xf32, #tpu.memory_space<hbm>>) target(%arg7 : memref<8x4096xf32, #tpu.memory_space<vmem>>) target_semaphore(%arg12 : memref<!tpu.dma_semaphore, #tpu.memory_space<semaphore_mem>>)
      } else {
      }
      %mul3A_81 = arith.constant 2 : i32
      %mul3A_82 = arith.muli %scan3A_37, %mul3A_81 : i32
      %add3A_83 = arith.constant 1 : i32
      %add3A_84 = arith.addi %mul3A_82, %add3A_83 : i32
      %mul3A_85 = arith.constant 8 : i32
      %mul3A_86 = arith.muli %add3A_84, %mul3A_85 : i32
      %add3A_87 = arith.addi %mul3A_2, %mul3A_86 : i32
      %dma_wait3A_88 = arith.constant 0 : i32
      %dma_wait3A_89 = tpu.memref_slice %arg2[%add3A_87, %dma_wait3A_88] : memref<16384x4096xf32, #tpu.memory_space<hbm>> -> memref<8x4096xf32, #tpu.memory_space<hbm>>
      %dma_wait3A_90 = arith.constant 0 : i32
      %dma_wait3A_91 = tpu.memref_slice %arg2[%add3A_87, %dma_wait3A_90] : memref<16384x4096xf32, #tpu.memory_space<hbm>> -> memref<8x4096xf32, #tpu.memory_space<hbm>>
      tpu.wait_dma2 semaphore(%arg13 : memref<!tpu.dma_semaphore, #tpu.memory_space<semaphore_mem>>) src(%dma_wait3A_91 : memref<8x4096xf32, #tpu.memory_space<hbm>>) dst(%arg8 : memref<8x4096xf32, #tpu.memory_space<vmem>>)
      %ge3A_92 = arith.constant 1 : i32
      %ge3A_93 = arith.cmpi sge, %add3A_84, %ge3A_92 : i32
      %convert_element_type3A_94 = arith.extui %ge3A_93 : i1 to i32
      %cond3A_95 = arith.constant 0 : i32
      %cond3A_96 = arith.cmpi ne, %convert_element_type3A_94, %cond3A_95 : i32
      scf.if %cond3A_96 {
        %sub3A = arith.constant 1 : i32
        %sub3A_129 = arith.subi %add3A_84, %sub3A : i32
        %mul3A_130 = arith.constant 8 : i32
        %mul3A_131 = arith.muli %sub3A_129, %mul3A_130 : i32
        %add3A_132 = arith.addi %mul3A_2, %mul3A_131 : i32
        %dma_wait3A_133 = arith.constant 0 : i32
        %dma_wait3A_134 = tpu.memref_slice %arg4[%add3A_132, %dma_wait3A_133] : memref<16384x4096xf32, #tpu.memory_space<hbm>> -> memref<8x2048xf32, #tpu.memory_space<hbm>>
        %dma_wait3A_135 = arith.constant 0 : i32
        %dma_wait3A_136 = tpu.memref_slice %arg4[%add3A_132, %dma_wait3A_135] : memref<16384x4096xf32, #tpu.memory_space<hbm>> -> memref<8x2048xf32, #tpu.memory_space<hbm>>
        tpu.wait_dma2 semaphore(%arg14 : memref<!tpu.dma_semaphore, #tpu.memory_space<semaphore_mem>>) src(%arg9 : memref<8x2048xf32, #tpu.memory_space<vmem>>) dst(%dma_wait3A_136 : memref<8x2048xf32, #tpu.memory_space<hbm>>)
      } else {
      }
      %parallel_loop3A_97 = arith.constant 0 : i32
      %parallel_loop3A_98 = arith.constant 128 : i32
      %parallel_loop3A_99 = arith.constant 1 : i32
      scf.for %parallel_loop3A_129 = %parallel_loop3A_97 to %parallel_loop3A_98 step %parallel_loop3A_99  : i32 {
        %parallel_loop3A_130 = arith.constant 16 : i32
        %parallel_loop3A_131 = arith.muli %parallel_loop3A_129, %parallel_loop3A_130 : i32
        %parallel_loop3A_132 = arith.constant 0 : i32
        %parallel_loop3A_133 = arith.addi %parallel_loop3A_132, %parallel_loop3A_131 : i32
        %parallel_loop3A_134 = arith.index_cast %parallel_loop3A_133 : i32 to index
        %parallel_loop3A_135 = tpu.vector_load %arg6[%parallel_loop3A_134] {strides = array<i32>} : memref<4096xi32, #tpu.memory_space<vmem>>, vector<16xi32>,
        %parallel_loop3A_136 = arith.constant 0 : i32
        %parallel_loop3A_137 = vector.broadcast %parallel_loop3A_136 : i32 to vector<16xi32>
        %parallel_loop3A_138 = tpu.vector_load_idx %arg8[%parallel_loop3A_137, %parallel_loop3A_135] : memref<8x4096xf32, #tpu.memory_space<vmem>>[vector<16xi32>, vector<16xi32>], vector<16xf32>,
        %parallel_loop3A_139 = arith.constant 16 : i32
        %parallel_loop3A_140 = arith.muli %parallel_loop3A_129, %parallel_loop3A_139 : i32
        %parallel_loop3A_141 = arith.constant 0 : i32
        %parallel_loop3A_142 = arith.index_cast %parallel_loop3A_141 : i32 to index
        %parallel_loop3A_143 = arith.index_cast %parallel_loop3A_140 : i32 to index
        %parallel_loop3A_144 = tpu.vector_load %arg9[%parallel_loop3A_142, %parallel_loop3A_143] {strides = array<i32>} : memref<8x2048xf32, #tpu.memory_space<vmem>>, vector<16xf32>,
        tpu.vector_store %arg9[%parallel_loop3A_142, %parallel_loop3A_143], %parallel_loop3A_138 {strides = array<i32>} : memref<8x2048xf32, #tpu.memory_space<vmem>>, vector<16xf32>,
        %parallel_loop3A_145 = arith.constant 1 : i32
        %parallel_loop3A_146 = vector.broadcast %parallel_loop3A_145 : i32 to vector<16xi32>
        %parallel_loop3A_147 = tpu.vector_load_idx %arg8[%parallel_loop3A_146, %parallel_loop3A_135] : memref<8x4096xf32, #tpu.memory_space<vmem>>[vector<16xi32>, vector<16xi32>], vector<16xf32>,
        %parallel_loop3A_148 = arith.constant 16 : i32
        %parallel_loop3A_149 = arith.muli %parallel_loop3A_129, %parallel_loop3A_148 : i32
        %parallel_loop3A_150 = arith.constant 1 : i32
        %parallel_loop3A_151 = arith.index_cast %parallel_loop3A_150 : i32 to index
        %parallel_loop3A_152 = arith.index_cast %parallel_loop3A_149 : i32 to index
        %parallel_loop3A_153 = tpu.vector_load %arg9[%parallel_loop3A_151, %parallel_loop3A_152] {strides = array<i32>} : memref<8x2048xf32, #tpu.memory_space<vmem>>, vector<16xf32>,
        tpu.vector_store %arg9[%parallel_loop3A_151, %parallel_loop3A_152], %parallel_loop3A_147 {strides = array<i32>} : memref<8x2048xf32, #tpu.memory_space<vmem>>, vector<16xf32>,
        %parallel_loop3A_154 = arith.constant 2 : i32
        %parallel_loop3A_155 = vector.broadcast %parallel_loop3A_154 : i32 to vector<16xi32>
        %parallel_loop3A_156 = tpu.vector_load_idx %arg8[%parallel_loop3A_155, %parallel_loop3A_135] : memref<8x4096xf32, #tpu.memory_space<vmem>>[vector<16xi32>, vector<16xi32>], vector<16xf32>,
        %parallel_loop3A_157 = arith.constant 16 : i32
        %parallel_loop3A_158 = arith.muli %parallel_loop3A_129, %parallel_loop3A_157 : i32
        %parallel_loop3A_159 = arith.constant 2 : i32
        %parallel_loop3A_160 = arith.index_cast %parallel_loop3A_159 : i32 to index
        %parallel_loop3A_161 = arith.index_cast %parallel_loop3A_158 : i32 to index
        %parallel_loop3A_162 = tpu.vector_load %arg9[%parallel_loop3A_160, %parallel_loop3A_161] {strides = array<i32>} : memref<8x2048xf32, #tpu.memory_space<vmem>>, vector<16xf32>,
        tpu.vector_store %arg9[%parallel_loop3A_160, %parallel_loop3A_161], %parallel_loop3A_156 {strides = array<i32>} : memref<8x2048xf32, #tpu.memory_space<vmem>>, vector<16xf32>,
        %parallel_loop3A_163 = arith.constant 3 : i32
        %parallel_loop3A_164 = vector.broadcast %parallel_loop3A_163 : i32 to vector<16xi32>
        %parallel_loop3A_165 = tpu.vector_load_idx %arg8[%parallel_loop3A_164, %parallel_loop3A_135] : memref<8x4096xf32, #tpu.memory_space<vmem>>[vector<16xi32>, vector<16xi32>], vector<16xf32>,
        %parallel_loop3A_166 = arith.constant 16 : i32
        %parallel_loop3A_167 = arith.muli %parallel_loop3A_129, %parallel_loop3A_166 : i32
        %parallel_loop3A_168 = arith.constant 3 : i32
        %parallel_loop3A_169 = arith.index_cast %parallel_loop3A_168 : i32 to index
        %parallel_loop3A_170 = arith.index_cast %parallel_loop3A_167 : i32 to index
        %parallel_loop3A_171 = tpu.vector_load %arg9[%parallel_loop3A_169, %parallel_loop3A_170] {strides = array<i32>} : memref<8x2048xf32, #tpu.memory_space<vmem>>, vector<16xf32>,
        tpu.vector_store %arg9[%parallel_loop3A_169, %parallel_loop3A_170], %parallel_loop3A_165 {strides = array<i32>} : memref<8x2048xf32, #tpu.memory_space<vmem>>, vector<16xf32>,
        %parallel_loop3A_172 = arith.constant 4 : i32
        %parallel_loop3A_173 = vector.broadcast %parallel_loop3A_172 : i32 to vector<16xi32>
        %parallel_loop3A_174 = tpu.vector_load_idx %arg8[%parallel_loop3A_173, %parallel_loop3A_135] : memref<8x4096xf32, #tpu.memory_space<vmem>>[vector<16xi32>, vector<16xi32>], vector<16xf32>,
        %parallel_loop3A_175 = arith.constant 16 : i32
        %parallel_loop3A_176 = arith.muli %parallel_loop3A_129, %parallel_loop3A_175 : i32
        %parallel_loop3A_177 = arith.constant 4 : i32
        %parallel_loop3A_178 = arith.index_cast %parallel_loop3A_177 : i32 to index
        %parallel_loop3A_179 = arith.index_cast %parallel_loop3A_176 : i32 to index
        %parallel_loop3A_180 = tpu.vector_load %arg9[%parallel_loop3A_178, %parallel_loop3A_179] {strides = array<i32>} : memref<8x2048xf32, #tpu.memory_space<vmem>>, vector<16xf32>,
        tpu.vector_store %arg9[%parallel_loop3A_178, %parallel_loop3A_179], %parallel_loop3A_174 {strides = array<i32>} : memref<8x2048xf32, #tpu.memory_space<vmem>>, vector<16xf32>,
        %parallel_loop3A_181 = arith.constant 5 : i32
        %parallel_loop3A_182 = vector.broadcast %parallel_loop3A_181 : i32 to vector<16xi32>
        %parallel_loop3A_183 = tpu.vector_load_idx %arg8[%parallel_loop3A_182, %parallel_loop3A_135] : memref<8x4096xf32, #tpu.memory_space<vmem>>[vector<16xi32>, vector<16xi32>], vector<16xf32>,
        %parallel_loop3A_184 = arith.constant 16 : i32
        %parallel_loop3A_185 = arith.muli %parallel_loop3A_129, %parallel_loop3A_184 : i32
        %parallel_loop3A_186 = arith.constant 5 : i32
        %parallel_loop3A_187 = arith.index_cast %parallel_loop3A_186 : i32 to index
        %parallel_loop3A_188 = arith.index_cast %parallel_loop3A_185 : i32 to index
        %parallel_loop3A_189 = tpu.vector_load %arg9[%parallel_loop3A_187, %parallel_loop3A_188] {strides = array<i32>} : memref<8x2048xf32, #tpu.memory_space<vmem>>, vector<16xf32>,
        tpu.vector_store %arg9[%parallel_loop3A_187, %parallel_loop3A_188], %parallel_loop3A_183 {strides = array<i32>} : memref<8x2048xf32, #tpu.memory_space<vmem>>, vector<16xf32>,
        %parallel_loop3A_190 = arith.constant 6 : i32
        %parallel_loop3A_191 = vector.broadcast %parallel_loop3A_190 : i32 to vector<16xi32>
        %parallel_loop3A_192 = tpu.vector_load_idx %arg8[%parallel_loop3A_191, %parallel_loop3A_135] : memref<8x4096xf32, #tpu.memory_space<vmem>>[vector<16xi32>, vector<16xi32>], vector<16xf32>,
        %parallel_loop3A_193 = arith.constant 16 : i32
        %parallel_loop3A_194 = arith.muli %parallel_loop3A_129, %parallel_loop3A_193 : i32
        %parallel_loop3A_195 = arith.constant 6 : i32
        %parallel_loop3A_196 = arith.index_cast %parallel_loop3A_195 : i32 to index
        %parallel_loop3A_197 = arith.index_cast %parallel_loop3A_194 : i32 to index
        %parallel_loop3A_198 = tpu.vector_load %arg9[%parallel_loop3A_196, %parallel_loop3A_197] {strides = array<i32>} : memref<8x2048xf32, #tpu.memory_space<vmem>>, vector<16xf32>,
        tpu.vector_store %arg9[%parallel_loop3A_196, %parallel_loop3A_197], %parallel_loop3A_192 {strides = array<i32>} : memref<8x2048xf32, #tpu.memory_space<vmem>>, vector<16xf32>,
        %parallel_loop3A_199 = arith.constant 7 : i32
        %parallel_loop3A_200 = vector.broadcast %parallel_loop3A_199 : i32 to vector<16xi32>
        %parallel_loop3A_201 = tpu.vector_load_idx %arg8[%parallel_loop3A_200, %parallel_loop3A_135] : memref<8x4096xf32, #tpu.memory_space<vmem>>[vector<16xi32>, vector<16xi32>], vector<16xf32>,
        %parallel_loop3A_202 = arith.constant 16 : i32
        %parallel_loop3A_203 = arith.muli %parallel_loop3A_129, %parallel_loop3A_202 : i32
        %parallel_loop3A_204 = arith.constant 7 : i32
        %parallel_loop3A_205 = arith.index_cast %parallel_loop3A_204 : i32 to index
        %parallel_loop3A_206 = arith.index_cast %parallel_loop3A_203 : i32 to index
        %parallel_loop3A_207 = tpu.vector_load %arg9[%parallel_loop3A_205, %parallel_loop3A_206] {strides = array<i32>} : memref<8x2048xf32, #tpu.memory_space<vmem>>, vector<16xf32>,
        tpu.vector_store %arg9[%parallel_loop3A_205, %parallel_loop3A_206], %parallel_loop3A_201 {strides = array<i32>} : memref<8x2048xf32, #tpu.memory_space<vmem>>, vector<16xf32>,
      } {sc.loop_unroll_factor = 4 : i64, sc.parallel_access}
      %mul3A_100 = arith.constant 8 : i32
      %mul3A_101 = arith.muli %add3A_84, %mul3A_100 : i32
      %add3A_102 = arith.addi %mul3A_2, %mul3A_101 : i32
      %dma_start3A_103 = arith.constant 0 : i32
      %dma_start3A_104 = tpu.memref_slice %arg4[%add3A_102, %dma_start3A_103] : memref<16384x4096xf32, #tpu.memory_space<hbm>> -> memref<8x2048xf32, #tpu.memory_space<hbm>>
      %dma_start3A_105 = arith.constant 0 : i32
      %dma_start3A_106 = tpu.memref_slice %arg4[%add3A_102, %dma_start3A_105] : memref<16384x4096xf32, #tpu.memory_space<hbm>> -> memref<8x2048xf32, #tpu.memory_space<hbm>>
      tpu.enqueue_dma source(%arg9 : memref<8x2048xf32, #tpu.memory_space<vmem>>) target(%dma_start3A_106 : memref<8x2048xf32, #tpu.memory_space<hbm>>) target_semaphore(%arg14 : memref<!tpu.dma_semaphore, #tpu.memory_space<semaphore_mem>>)
      %ge3A_107 = arith.constant 1 : i32
      %ge3A_108 = arith.cmpi sge, %add3A_84, %ge3A_107 : i32
      %convert_element_type3A_109 = arith.extui %ge3A_108 : i1 to i32
      %cond3A_110 = arith.constant 0 : i32
      %cond3A_111 = arith.cmpi ne, %convert_element_type3A_109, %cond3A_110 : i32
      scf.if %cond3A_111 {
        %sub3A = arith.constant 1 : i32
        %sub3A_129 = arith.subi %add3A_84, %sub3A : i32
        %mul3A_130 = arith.constant 8 : i32
        %mul3A_131 = arith.muli %sub3A_129, %mul3A_130 : i32
        %add3A_132 = arith.addi %mul3A_2, %mul3A_131 : i32
        %dma_wait3A_133 = arith.constant 2048 : i32
        %dma_wait3A_134 = tpu.memref_slice %arg4[%add3A_132, %dma_wait3A_133] : memref<16384x4096xf32, #tpu.memory_space<hbm>> -> memref<8x2048xf32, #tpu.memory_space<hbm>>
        %dma_wait3A_135 = arith.constant 2048 : i32
        %dma_wait3A_136 = tpu.memref_slice %arg4[%add3A_132, %dma_wait3A_135] : memref<16384x4096xf32, #tpu.memory_space<hbm>> -> memref<8x2048xf32, #tpu.memory_space<hbm>>
        tpu.wait_dma2 semaphore(%arg15 : memref<!tpu.dma_semaphore, #tpu.memory_space<semaphore_mem>>) src(%arg10 : memref<8x2048xf32, #tpu.memory_space<vmem>>) dst(%dma_wait3A_136 : memref<8x2048xf32, #tpu.memory_space<hbm>>)
      } else {
      }
      %parallel_loop3A_112 = arith.constant 0 : i32
      %parallel_loop3A_113 = arith.constant 128 : i32
      %parallel_loop3A_114 = arith.constant 1 : i32
      scf.for %parallel_loop3A_129 = %parallel_loop3A_112 to %parallel_loop3A_113 step %parallel_loop3A_114  : i32 {
        %parallel_loop3A_130 = arith.constant 16 : i32
        %parallel_loop3A_131 = arith.muli %parallel_loop3A_129, %parallel_loop3A_130 : i32
        %parallel_loop3A_132 = arith.constant 2048 : i32
        %parallel_loop3A_133 = arith.addi %parallel_loop3A_132, %parallel_loop3A_131 : i32
        %parallel_loop3A_134 = arith.index_cast %parallel_loop3A_133 : i32 to index
        %parallel_loop3A_135 = tpu.vector_load %arg6[%parallel_loop3A_134] {strides = array<i32>} : memref<4096xi32, #tpu.memory_space<vmem>>, vector<16xi32>,
        %parallel_loop3A_136 = arith.constant 0 : i32
        %parallel_loop3A_137 = vector.broadcast %parallel_loop3A_136 : i32 to vector<16xi32>
        %parallel_loop3A_138 = tpu.vector_load_idx %arg8[%parallel_loop3A_137, %parallel_loop3A_135] : memref<8x4096xf32, #tpu.memory_space<vmem>>[vector<16xi32>, vector<16xi32>], vector<16xf32>,
        %parallel_loop3A_139 = arith.constant 16 : i32
        %parallel_loop3A_140 = arith.muli %parallel_loop3A_129, %parallel_loop3A_139 : i32
        %parallel_loop3A_141 = arith.constant 0 : i32
        %parallel_loop3A_142 = arith.index_cast %parallel_loop3A_141 : i32 to index
        %parallel_loop3A_143 = arith.index_cast %parallel_loop3A_140 : i32 to index
        %parallel_loop3A_144 = tpu.vector_load %arg10[%parallel_loop3A_142, %parallel_loop3A_143] {strides = array<i32>} : memref<8x2048xf32, #tpu.memory_space<vmem>>, vector<16xf32>,
        tpu.vector_store %arg10[%parallel_loop3A_142, %parallel_loop3A_143], %parallel_loop3A_138 {strides = array<i32>} : memref<8x2048xf32, #tpu.memory_space<vmem>>, vector<16xf32>,
        %parallel_loop3A_145 = arith.constant 1 : i32
        %parallel_loop3A_146 = vector.broadcast %parallel_loop3A_145 : i32 to vector<16xi32>
        %parallel_loop3A_147 = tpu.vector_load_idx %arg8[%parallel_loop3A_146, %parallel_loop3A_135] : memref<8x4096xf32, #tpu.memory_space<vmem>>[vector<16xi32>, vector<16xi32>], vector<16xf32>,
        %parallel_loop3A_148 = arith.constant 16 : i32
        %parallel_loop3A_149 = arith.muli %parallel_loop3A_129, %parallel_loop3A_148 : i32
        %parallel_loop3A_150 = arith.constant 1 : i32
        %parallel_loop3A_151 = arith.index_cast %parallel_loop3A_150 : i32 to index
        %parallel_loop3A_152 = arith.index_cast %parallel_loop3A_149 : i32 to index
        %parallel_loop3A_153 = tpu.vector_load %arg10[%parallel_loop3A_151, %parallel_loop3A_152] {strides = array<i32>} : memref<8x2048xf32, #tpu.memory_space<vmem>>, vector<16xf32>,
        tpu.vector_store %arg10[%parallel_loop3A_151, %parallel_loop3A_152], %parallel_loop3A_147 {strides = array<i32>} : memref<8x2048xf32, #tpu.memory_space<vmem>>, vector<16xf32>,
        %parallel_loop3A_154 = arith.constant 2 : i32
        %parallel_loop3A_155 = vector.broadcast %parallel_loop3A_154 : i32 to vector<16xi32>
        %parallel_loop3A_156 = tpu.vector_load_idx %arg8[%parallel_loop3A_155, %parallel_loop3A_135] : memref<8x4096xf32, #tpu.memory_space<vmem>>[vector<16xi32>, vector<16xi32>], vector<16xf32>,
        %parallel_loop3A_157 = arith.constant 16 : i32
        %parallel_loop3A_158 = arith.muli %parallel_loop3A_129, %parallel_loop3A_157 : i32
        %parallel_loop3A_159 = arith.constant 2 : i32
        %parallel_loop3A_160 = arith.index_cast %parallel_loop3A_159 : i32 to index
        %parallel_loop3A_161 = arith.index_cast %parallel_loop3A_158 : i32 to index
        %parallel_loop3A_162 = tpu.vector_load %arg10[%parallel_loop3A_160, %parallel_loop3A_161] {strides = array<i32>} : memref<8x2048xf32, #tpu.memory_space<vmem>>, vector<16xf32>,
        tpu.vector_store %arg10[%parallel_loop3A_160, %parallel_loop3A_161], %parallel_loop3A_156 {strides = array<i32>} : memref<8x2048xf32, #tpu.memory_space<vmem>>, vector<16xf32>,
        %parallel_loop3A_163 = arith.constant 3 : i32
        %parallel_loop3A_164 = vector.broadcast %parallel_loop3A_163 : i32 to vector<16xi32>
        %parallel_loop3A_165 = tpu.vector_load_idx %arg8[%parallel_loop3A_164, %parallel_loop3A_135] : memref<8x4096xf32, #tpu.memory_space<vmem>>[vector<16xi32>, vector<16xi32>], vector<16xf32>,
        %parallel_loop3A_166 = arith.constant 16 : i32
        %parallel_loop3A_167 = arith.muli %parallel_loop3A_129, %parallel_loop3A_166 : i32
        %parallel_loop3A_168 = arith.constant 3 : i32
        %parallel_loop3A_169 = arith.index_cast %parallel_loop3A_168 : i32 to index
        %parallel_loop3A_170 = arith.index_cast %parallel_loop3A_167 : i32 to index
        %parallel_loop3A_171 = tpu.vector_load %arg10[%parallel_loop3A_169, %parallel_loop3A_170] {strides = array<i32>} : memref<8x2048xf32, #tpu.memory_space<vmem>>, vector<16xf32>,
        tpu.vector_store %arg10[%parallel_loop3A_169, %parallel_loop3A_170], %parallel_loop3A_165 {strides = array<i32>} : memref<8x2048xf32, #tpu.memory_space<vmem>>, vector<16xf32>,
        %parallel_loop3A_172 = arith.constant 4 : i32
        %parallel_loop3A_173 = vector.broadcast %parallel_loop3A_172 : i32 to vector<16xi32>
        %parallel_loop3A_174 = tpu.vector_load_idx %arg8[%parallel_loop3A_173, %parallel_loop3A_135] : memref<8x4096xf32, #tpu.memory_space<vmem>>[vector<16xi32>, vector<16xi32>], vector<16xf32>,
        %parallel_loop3A_175 = arith.constant 16 : i32
        %parallel_loop3A_176 = arith.muli %parallel_loop3A_129, %parallel_loop3A_175 : i32
        %parallel_loop3A_177 = arith.constant 4 : i32
        %parallel_loop3A_178 = arith.index_cast %parallel_loop3A_177 : i32 to index
        %parallel_loop3A_179 = arith.index_cast %parallel_loop3A_176 : i32 to index
        %parallel_loop3A_180 = tpu.vector_load %arg10[%parallel_loop3A_178, %parallel_loop3A_179] {strides = array<i32>} : memref<8x2048xf32, #tpu.memory_space<vmem>>, vector<16xf32>,
        tpu.vector_store %arg10[%parallel_loop3A_178, %parallel_loop3A_179], %parallel_loop3A_174 {strides = array<i32>} : memref<8x2048xf32, #tpu.memory_space<vmem>>, vector<16xf32>,
        %parallel_loop3A_181 = arith.constant 5 : i32
        %parallel_loop3A_182 = vector.broadcast %parallel_loop3A_181 : i32 to vector<16xi32>
        %parallel_loop3A_183 = tpu.vector_load_idx %arg8[%parallel_loop3A_182, %parallel_loop3A_135] : memref<8x4096xf32, #tpu.memory_space<vmem>>[vector<16xi32>, vector<16xi32>], vector<16xf32>,
        %parallel_loop3A_184 = arith.constant 16 : i32
        %parallel_loop3A_185 = arith.muli %parallel_loop3A_129, %parallel_loop3A_184 : i32
        %parallel_loop3A_186 = arith.constant 5 : i32
        %parallel_loop3A_187 = arith.index_cast %parallel_loop3A_186 : i32 to index
        %parallel_loop3A_188 = arith.index_cast %parallel_loop3A_185 : i32 to index
        %parallel_loop3A_189 = tpu.vector_load %arg10[%parallel_loop3A_187, %parallel_loop3A_188] {strides = array<i32>} : memref<8x2048xf32, #tpu.memory_space<vmem>>, vector<16xf32>,
        tpu.vector_store %arg10[%parallel_loop3A_187, %parallel_loop3A_188], %parallel_loop3A_183 {strides = array<i32>} : memref<8x2048xf32, #tpu.memory_space<vmem>>, vector<16xf32>,
        %parallel_loop3A_190 = arith.constant 6 : i32
        %parallel_loop3A_191 = vector.broadcast %parallel_loop3A_190 : i32 to vector<16xi32>
        %parallel_loop3A_192 = tpu.vector_load_idx %arg8[%parallel_loop3A_191, %parallel_loop3A_135] : memref<8x4096xf32, #tpu.memory_space<vmem>>[vector<16xi32>, vector<16xi32>], vector<16xf32>,
        %parallel_loop3A_193 = arith.constant 16 : i32
        %parallel_loop3A_194 = arith.muli %parallel_loop3A_129, %parallel_loop3A_193 : i32
        %parallel_loop3A_195 = arith.constant 6 : i32
        %parallel_loop3A_196 = arith.index_cast %parallel_loop3A_195 : i32 to index
        %parallel_loop3A_197 = arith.index_cast %parallel_loop3A_194 : i32 to index
        %parallel_loop3A_198 = tpu.vector_load %arg10[%parallel_loop3A_196, %parallel_loop3A_197] {strides = array<i32>} : memref<8x2048xf32, #tpu.memory_space<vmem>>, vector<16xf32>,
        tpu.vector_store %arg10[%parallel_loop3A_196, %parallel_loop3A_197], %parallel_loop3A_192 {strides = array<i32>} : memref<8x2048xf32, #tpu.memory_space<vmem>>, vector<16xf32>,
        %parallel_loop3A_199 = arith.constant 7 : i32
        %parallel_loop3A_200 = vector.broadcast %parallel_loop3A_199 : i32 to vector<16xi32>
        %parallel_loop3A_201 = tpu.vector_load_idx %arg8[%parallel_loop3A_200, %parallel_loop3A_135] : memref<8x4096xf32, #tpu.memory_space<vmem>>[vector<16xi32>, vector<16xi32>], vector<16xf32>,
        %parallel_loop3A_202 = arith.constant 16 : i32
        %parallel_loop3A_203 = arith.muli %parallel_loop3A_129, %parallel_loop3A_202 : i32
        %parallel_loop3A_204 = arith.constant 7 : i32
        %parallel_loop3A_205 = arith.index_cast %parallel_loop3A_204 : i32 to index
        %parallel_loop3A_206 = arith.index_cast %parallel_loop3A_203 : i32 to index
        %parallel_loop3A_207 = tpu.vector_load %arg10[%parallel_loop3A_205, %parallel_loop3A_206] {strides = array<i32>} : memref<8x2048xf32, #tpu.memory_space<vmem>>, vector<16xf32>,
        tpu.vector_store %arg10[%parallel_loop3A_205, %parallel_loop3A_206], %parallel_loop3A_201 {strides = array<i32>} : memref<8x2048xf32, #tpu.memory_space<vmem>>, vector<16xf32>,
      } {sc.loop_unroll_factor = 4 : i64, sc.parallel_access}
      %mul3A_115 = arith.constant 8 : i32
      %mul3A_116 = arith.muli %add3A_84, %mul3A_115 : i32
      %add3A_117 = arith.addi %mul3A_2, %mul3A_116 : i32
      %dma_start3A_118 = arith.constant 2048 : i32
      %dma_start3A_119 = tpu.memref_slice %arg4[%add3A_117, %dma_start3A_118] : memref<16384x4096xf32, #tpu.memory_space<hbm>> -> memref<8x2048xf32, #tpu.memory_space<hbm>>
      %dma_start3A_120 = arith.constant 2048 : i32
      %dma_start3A_121 = tpu.memref_slice %arg4[%add3A_117, %dma_start3A_120] : memref<16384x4096xf32, #tpu.memory_space<hbm>> -> memref<8x2048xf32, #tpu.memory_space<hbm>>
      tpu.enqueue_dma source(%arg10 : memref<8x2048xf32, #tpu.memory_space<vmem>>) target(%dma_start3A_121 : memref<8x2048xf32, #tpu.memory_space<hbm>>) target_semaphore(%arg15 : memref<!tpu.dma_semaphore, #tpu.memory_space<semaphore_mem>>)
      %add3A_122 = arith.constant 2 : i32
      %add3A_123 = arith.addi %add3A_84, %add3A_122 : i32
      %lt3A_124 = arith.constant 64 : i32
      %lt3A_125 = arith.cmpi slt, %add3A_123, %lt3A_124 : i32
      %convert_element_type3A_126 = arith.extui %lt3A_125 : i1 to i32
      %cond3A_127 = arith.constant 0 : i32
      %cond3A_128 = arith.cmpi ne, %convert_element_type3A_126, %cond3A_127 : i32
      scf.if %cond3A_128 {
        %add3A_129 = arith.constant 2 : i32
        %add3A_130 = arith.addi %add3A_84, %add3A_129 : i32
        %mul3A_131 = arith.constant 8 : i32
        %mul3A_132 = arith.muli %add3A_130, %mul3A_131 : i32
        %add3A_133 = arith.addi %mul3A_2, %mul3A_132 : i32
        %dma_start3A_134 = arith.constant 0 : i32
        %dma_start3A_135 = tpu.memref_slice %arg2[%add3A_133, %dma_start3A_134] : memref<16384x4096xf32, #tpu.memory_space<hbm>> -> memref<8x4096xf32, #tpu.memory_space<hbm>>
        %dma_start3A_136 = arith.constant 0 : i32
        %dma_start3A_137 = tpu.memref_slice %arg2[%add3A_133, %dma_start3A_136] : memref<16384x4096xf32, #tpu.memory_space<hbm>> -> memref<8x4096xf32, #tpu.memory_space<hbm>>
        tpu.enqueue_dma source(%dma_start3A_137 : memref<8x4096xf32, #tpu.memory_space<hbm>>) target(%arg8 : memref<8x4096xf32, #tpu.memory_space<vmem>>) target_semaphore(%arg13 : memref<!tpu.dma_semaphore, #tpu.memory_space<semaphore_mem>>)
      } else {
      }
    }
    %scan3A_25 = arith.constant 32 : i32
    %add3A_26 = arith.constant 504 : i32
    %add3A_27 = arith.addi %mul3A_2, %add3A_26 : i32
    %dma_wait3A = arith.constant 0 : i32
    %dma_wait3A_28 = tpu.memref_slice %arg4[%add3A_27, %dma_wait3A] : memref<16384x4096xf32, #tpu.memory_space<hbm>> -> memref<8x2048xf32, #tpu.memory_space<hbm>>
    %dma_wait3A_29 = arith.constant 0 : i32
    %dma_wait3A_30 = tpu.memref_slice %arg4[%add3A_27, %dma_wait3A_29] : memref<16384x4096xf32, #tpu.memory_space<hbm>> -> memref<8x2048xf32, #tpu.memory_space<hbm>>
    tpu.wait_dma2 semaphore(%arg14 : memref<!tpu.dma_semaphore, #tpu.memory_space<semaphore_mem>>) src(%arg9 : memref<8x2048xf32, #tpu.memory_space<vmem>>) dst(%dma_wait3A_30 : memref<8x2048xf32, #tpu.memory_space<hbm>>)
    %add3A_31 = arith.constant 504 : i32
    %add3A_32 = arith.addi %mul3A_2, %add3A_31 : i32
    %dma_wait3A_33 = arith.constant 2048 : i32
    %dma_wait3A_34 = tpu.memref_slice %arg4[%add3A_32, %dma_wait3A_33] : memref<16384x4096xf32, #tpu.memory_space<hbm>> -> memref<8x2048xf32, #tpu.memory_space<hbm>>
    %dma_wait3A_35 = arith.constant 2048 : i32
    %dma_wait3A_36 = tpu.memref_slice %arg4[%add3A_32, %dma_wait3A_35] : memref<16384x4096xf32, #tpu.memory_space<hbm>> -> memref<8x2048xf32, #tpu.memory_space<hbm>>
    tpu.wait_dma2 semaphore(%arg15 : memref<!tpu.dma_semaphore, #tpu.memory_space<semaphore_mem>>) src(%arg10 : memref<8x2048xf32, #tpu.memory_space<vmem>>) dst(%dma_wait3A_36 : memref<8x2048xf32, #tpu.memory_space<hbm>>)
    return
  }
}

</mosaic_0001>

<sc_bundles>
// kernel: kernel.3.cloned.1.call-start
scs
__scs_entry_jumppad:
0x0: {  	(pc) =	sbr.rel $0x88, $3  }
0x1: {  	(tag) =	ssettag $0x0;
	lr =	simm.s32 $0x1  }
0x2: {  	[smem:$0x3F9F] =	sst lr;
	_ =	strace $0xD0000000  }
0x3: {  	_ = 	snop  }
0x4: {  	_ = 	snop  }
0x5: {  	_ = 	snop  }
0x6: {  	_ = 	snop  }
0x7: {  	_ = 	snop  }
__scs_overlays_trampoline_lowered:
0x8: {  	[smem:$0x3FAE] =	sst s0  }
0x9: {  	[smem:$0x3FAF] =	sst s1  }
0xa: {  	[smem:$0x3FB0] =	sst s2  }
0xb: {  	[smem:$0x3FB1] =	sst s3  }
0xc: {  	[smem:$0x3FB2] =	sst s4  }
0xd: {  	[smem:$0x3FB3] =	sst s5  }
0xe: {  	[smem:$0x3FB4] =	sst s6  }
0xf: {  	[smem:$0x3FB5] =	sst s7  }
0x10: {  	[smem:$0x3FB6] =	sst s8  }
0x11: {  	[smem:$0x3FB7] =	sst s9;
	s0 =	simm.s32 @!p0 $0x0  }
0x12: {  	s1 =	sld [smem:$0x3F9D];
	s0 =	simm.s32 @p0 $0x1  }
0x13: {  	[smem:$0x3FB8] =	sst s0;
	s0 =	simm.s32 @!p1 $0x0  }
0x14: {  	s2 =	sld [smem:$0x3F9C];
	s0 =	simm.s32 @p1 $0x1  }
0x15: {  	[smem:$0x3FB9] =	sst s0;
	s0 =	simm.s32 @!p2 $0x0  }
0x16: {  	s3 =	sld [smem:$0x3FDB];
	s0 =	simm.s32 @p2 $0x1  }
0x17: {  	s4 =	simm.s32 $0x1BF5;
	[smem:$0x3FBB] =	sst s0  }
0x18: {  	s0 =	sld [smem:$0x3F9E];
	_ =	swait.ge [sflag:s4], $0x0  }
0x19: {  	s7 =	sld [smem:$0x3F9F]  }
0x1a: {  	s8 =	sadd.s32 $0xFFFFE003, lr  }
0x1b: {  	s9 =	sadd.s32 $0xFFFFFEF7, lr;
	s5 =	simm.s32 $0xFFFFFFFF;
	p2 =	slt.u32 s8, $0xFFFFF086  }
0x1c: {  	p1 =	slt.u32 s9, $0xF7A;
	s5 =	simm.s32 @!p2 $0x0  }
0x1d: {  	s5 =	simm.s32 @p1 $0x1;
	p0 =	seq.s32 s7, s2  }
0x1e: {  	s7 =	smul.u32 @!p0 $0xF7A, s2;
	p2 =	seq.s32 @!p0 s5, $0x0  }
0x1f: {  	s9 =	smul.u32 $0xF7A, s1;
	s8 =	simm.s32 @!p0 $0x1BF5;
	p2 =	por !p2, p0  }
0x20: {  	[sflag:s8] =	ssyncset.s32 @!p0 $0xFFFFF086;
	s6 =	sadd.s32 @!p0 s3, s7;
	s7 =	simm.s32 @!p0 $0x108  }
0x21: {  	s3 =	sadd.s32 s3, s9;
	s6 =	sadd.s32 @!p0 $0x88, s6;
	s7 =	simm.s32 @p2 $0x1082  }
0x22: {  	[simem:s7], [sflag:s8] =	dma.local @!p0 [hbm:s6], $0xF7A  }
0x23: {  	s9 =	sor.u32 $0xD0000000, s2;
	s6 =	simm.s32 $0x108;
	_ =	swait.ge @!p0 [sflag:s8], $0x0  }
0x24: {  	s3 =	sadd.s32 $0x88, s3;
	s6 =	simm.s32 @!p1 $0x1082;
	[sflag:s4] =	ssyncset.s32 $0xFFFFF086  }
0x25: {  	[simem:s6], [sflag:s4] =	dma.local [hbm:s3], $0xF7A  }
0x26: {  	[smem:$0x3F9F] =	sst s1;
	(tag) =	ssettag s2;
	_ =	strace s9  }
0x27: {  	s1 =	sld [smem:$0x3FAF]  }
0x28: {  	s2 =	sld [smem:$0x3FB0]  }
0x29: {  	s4 =	sld [smem:$0x3FB2]  }
0x2a: {  	p0 =	seq.s32 s5, $0x0;
	s5 =	sld [smem:$0x3FB3]  }
0x2b: {  	s6 =	sld [smem:$0x3FB4]  }
0x2c: {  	s7 =	sld [smem:$0x3FB5]  }
0x2d: {  	s3 =	simm.s32 $0x108;
	s8 =	sld [smem:$0x3FB6]  }
0x2e: {  	s3 =	simm.s32 @!p0 $0x1082;
	s9 =	sld [smem:$0x3FB7]  }
0x2f: {  	lr =	sadd.s32 s0, s3;
	s0 =	sld [smem:$0x3FAE]  }
0x30: {  	s3 =	sld [smem:$0x3FB1]  }
0x31: {  	[smem:$0x3FBA] =	sst s10  }
0x32: {  	s10 =	sld [smem:$0x3FB8];
	_ =	sdelay $0x3  }
0x33: {  	p0 =	seq.s32 s10, $0x1;
	s10 =	sld [smem:$0x3FBA];
	_ =	sdelay $0x3  }
0x34: {  	[smem:$0x3FBA] =	sst s10  }
0x35: {  	s10 =	sld [smem:$0x3FB9];
	_ =	sdelay $0x3  }
0x36: {  	p1 =	seq.s32 s10, $0x1;
	s10 =	sld [smem:$0x3FBA];
	_ =	sdelay $0x3  }
0x37: {  	[smem:$0x3FBA] =	sst s10  }
0x38: {  	s10 =	sld [smem:$0x3FBB]  }
0x39: {  	_ = 	snop;
	(pc) =	sbr.ind lr, $3  }
0x3a: {  	_ = 	snop  }
0x3b: {  	_ = 	snop  }
0x3c: {  	p2 =	seq.s32 s10, $0x1;
	s10 =	sld [smem:$0x3FBA]  }
0x3d: {  	_ =	shalt  }
0x3e: {  	_ =	shalt  }
0x3f: {  	_ =	shalt  }
0x40: {  	_ =	shalt  }
0x41: {  	_ =	shalt  }
0x42: {  	_ =	shalt  }
0x43: {  	_ =	shalt  }
0x44: {  	_ =	shalt  }
0x45: {  	_ =	shalt  }
0x46: {  	_ =	shalt  }
0x47: {  	_ =	shalt  }
0x48: {  	_ =	shalt  }
0x49: {  	_ =	shalt  }
0x4a: {  	_ =	shalt  }
0x4b: {  	_ =	shalt  }
0x4c: {  	_ =	shalt  }
0x4d: {  	_ =	shalt  }
0x4e: {  	_ =	shalt  }
0x4f: {  	_ =	shalt  }
0x50: {  	_ =	shalt  }
0x51: {  	_ =	shalt  }
0x52: {  	_ =	shalt  }
0x53: {  	_ =	shalt  }
0x54: {  	_ =	shalt  }
0x55: {  	_ =	shalt  }
0x56: {  	_ =	shalt  }
0x57: {  	_ =	shalt  }
0x58: {  	_ =	shalt  }
0x59: {  	_ =	shalt  }
0x5a: {  	_ =	shalt  }
0x5b: {  	_ =	shalt  }
0x5c: {  	_ =	shalt  }
0x5d: {  	_ =	shalt  }
0x5e: {  	_ =	shalt  }
0x5f: {  	_ =	shalt  }
0x60: {  	_ =	shalt  }
0x61: {  	_ =	shalt  }
0x62: {  	_ =	shalt  }
0x63: {  	_ =	shalt  }
0x64: {  	_ =	shalt  }
0x65: {  	_ =	shalt  }
0x66: {  	_ =	shalt  }
0x67: {  	_ =	shalt  }
0x68: {  	_ =	shalt  }
0x69: {  	_ =	shalt  }
0x6a: {  	_ =	shalt  }
0x6b: {  	_ =	shalt  }
0x6c: {  	_ =	shalt  }
0x6d: {  	_ =	shalt  }
0x6e: {  	_ =	shalt  }
0x6f: {  	_ =	shalt  }
0x70: {  	_ =	shalt  }
0x71: {  	_ =	shalt  }
0x72: {  	_ =	shalt  }
0x73: {  	_ =	shalt  }
0x74: {  	_ =	shalt  }
0x75: {  	_ =	shalt  }
0x76: {  	_ =	shalt  }
0x77: {  	_ =	shalt  }
0x78: {  	_ =	shalt  }
0x79: {  	_ =	shalt  }
0x7a: {  	_ =	shalt  }
0x7b: {  	_ =	shalt  }
0x7c: {  	_ =	shalt  }
0x7d: {  	_ =	shalt  }
0x7e: {  	_ =	shalt  }
0x7f: {  	_ =	shalt  }
0x80: {  	_ =	shalt  }
0x81: {  	_ =	shalt  }
0x82: {  	_ =	shalt  }
0x83: {  	_ =	shalt  }
0x84: {  	_ =	shalt  }
0x85: {  	_ =	shalt  }
0x86: {  	_ =	shalt  }
0x87: {  	_ =	shalt  }
.Lfunc_end0:
.L_simem_size_0:
called_computation_lowered:
.L_overlay_start_0:
0x88: {  	s2 =	sld [smem:$0x3FD9]  }
0x89: {  	s3 =	sld [smem:$0x3FFE];
	_ =	sdelay $0x1  }
0x8a: {  	s1 =	srdreg.scid  }
0x8b: {  	s0 =	sand.u32 $0x1, s1  }
0x8c: {  	s15 =	sshll.u32 s0, $0xA;
	s2 =	sadd.s32 s3, s2  }
0x8d: {  	s2 =	sadd.s32 s2, s15  }
0x8e: {  	[smem:$0x3FC6] =	sst s2  }
0x8f: {  	_ = 	snop  }
0x90: {  	s2 =	sld [smem:$0x3FD0];
	_ =	sdelay $0x1  }
0x91: {  	s16 =	sld [smem:$0x3FC9]  }
0x92: {  	s5 =	simm.s32 $0xA;
	s6 =	simm.s32 $0x10;
	s4 =	sld [smem:$0x3FC8]  }
0x93: {  	[smem:s6], [sflag:s5] =	dma.local [hbm:s2], $0x1  }
0x94: {  	_ =	swait.eq [sflag:s5], $0x1  }
0x95: {  	[sflag:s5] =	ssyncset.done $0x0  }
0x96: {  	s17 =	sld [smem:$0x10];
	[sflag:s5] =	ssyncadd.s32 $0xFFFFFFFF  }
0x97: {  	s18 =	sld [smem:$0x11];
	(tm) =	ssettm $0x1  }
0x98: {  	s19 =	sld [smem:$0x3FFB];
	_ =	sdelay $0x3  }
0x99: {  	_ =	strace s19  }
0x9a: {  	s6 =	sld [smem:$0x3FFC];
	_ =	sdelay $0x3  }
0x9b: {  	_ =	strace s6  }
0x9c: {  	s6 =	sld [smem:$0x3FFD];
	_ =	sdelay $0x3  }
0x9d: {  	_ =	strace s6  }
0x9e: {  	_ =	strace $0x8FFFFFFF  }
0x9f: {  	s20 =	sld [smem:$0x3FDB];
	_ =	sdelay $0x1  }
0xa0: {  	s7 =	simm.s32 $_scs_section_size  }
0xa1: {  	s8 =	simm.s32 $_size__tile_overlayer_lowered;
	s9 =	simm.s32 $_tile_overlayer_lowered  }
0xa2: {  	s23 =	simm.s32 $0x1BFF;
	s22 =	sshll.u32 s9, $0x1;
	s6 =	sadd.s32 s7, s20  }
0xa3: {  	s10 =	simm.s32 $0x0;
	s21 =	sshll.u32 s8, $0x1;
	s8 =	sadd.s32 s22, s6  }
0xa4: {  	[timem:s10], [sflag:s23] =	dma.local [hbm:s8], s21  }
0xa5: {  	_ =	swait.ge [sflag:s23], s21  }
0xa6: {  	s7 =	ssub.s32 $0x0, s21;
	[sflag:s23] =	ssyncset.done $0x0  }
0xa7: {  	[sflag:s23] =	ssyncadd.s32 s7;
	_ =	sdelay $0x1  }
0xa8: {  	s24 =	simm.s32 $0x1B8B  }
0xa9: {  	_ =	swait.ge [sflag:s24], $0x1  }
0xaa: {  	[sflag:s24] =	ssyncset.done $0x0  }
0xab: {  	s25 =	simm.s32 $0x1B8E;
	[sflag:s24] =	ssyncadd.s32 $0xFFFFFFFF  }
0xac: {  	s26 =	simm.s32 $execute0_lowered;
	[smem:$0x3FD2] =	sst s25  }
0xad: {  	s7 =	sshll.u32 s26, $0x1;
	_ =	strace $0x80000046;
	[dreg:$0x1] =	wrdreg $0xFFFFFFFF  }
0xae: {  	s28 =	simm.s32 $_size_execute0_lowered;
	s6 =	sadd.s32 s6, s7;
	[dreg:$0x0] =	wrdreg $0x0  }
0xaf: {  	s7 =	sshll.u32 s28, $0x1;
	[dreg:$0x2] =	wrdreg s6  }
0xb0: {  	[dreg:$0x3] =	wrdreg s7  }
0xb1: {  	[dreg:$0x4] =	wrdreg $0xC0  }
0xb2: {  	_ =	task [dreg:s10], $0x5FFFF  }
0xb3: {  	[dreg:$0x1] =	wrdreg $0xFFFFFFFF  }
0xb4: {  	[dreg:$0x0] =	wrdreg $0x60  }
0xb5: {  	[dreg:$0x2] =	wrdreg s16  }
0xb6: {  	[dreg:$0x3] =	wrdreg s4  }
0xb7: {  	[dreg:$0x4] =	wrdreg s17  }
0xb8: {  	[dreg:$0x5] =	wrdreg s18  }
0xb9: {  	[dreg:$0x6] =	wrdreg $0x9  }
0xba: {  	_ =	task.clear_ibuf [dreg:s10], $0x7FFFF;
	_ =	strace $0x90000046  }
0xbb: {  	s29 =	simm.s32 $0x9;
	_ =	strace $0x80000048  }
0xbc: {  	_ =	swait.ge [sflag:s29], $0x1  }
0xbd: {  	[sflag:s29] =	ssyncadd.s32 $0xFFFFFFFF  }
0xbe: {  	_ =	strace $0x90000048  }
0xbf: {  	_ =	sfence  }
0xc0: {  	s30 =	sld [smem:$0x0];
	_ =	sdelay $0x2  }
0xc1: {  	s31 =	sshll.u32 s1, $0xD;
	s1 =	sshrl.u32 s1, $0x2  }
0xc2: {  	s3 =	sand.u32 $0x4000, s31;
	s1 =	sadd.s32 s1, s30  }
0xc3: {  	s0 =	sor.u32 s3, s0;
	s1 =	sshll.u32 s1, $0x11  }
0xc4: {  	s0 =	sor.u32 s1, s0  }
0xc5: {  	s0 =	sadd.s32 $0x8F2B, s0  }
0xc6: {  	[sflag:s0] =	ssyncadd.remote.s32 $0x1  }
0xc7: {  	_ =	sfence.sel $0xFFFF  }
0xc8: {  	[dreg:$0x0] =	wrdreg $0xFFFFFFFF;
	(pc) =	sbr.abs _section_cstart, $3  }
0xc9: {  	[dreg:$0x1] =	wrdreg $0xFFFFFFFF  }
0xca: {  	_ =	task.clear_ibuf [dreg:s10], $0x2FFFF;
	_ =	strace $0x9FFFFFFF  }
0xcb: {  	(tm) =	ssettm $0x7FFFFFFF  }
tec
execute0_lowered:
.L_overlay_start_1:
0x0: {  	(tag) =	ssettag $0x1  }
0x1: {  	s4 =	rddreg [dreg:$0x0]  }
0x2: {  	s23 =	rddreg [dreg:$0x2];
	s1 =	srdreg.scid  }
0x3: {  	s0 =	rddreg [dreg:$0x3];
	s2 =	stileid.u32;
	s1 =	sand.u32 $0x1, s1  }
0x4: {  	s5 =	simm.s32 $0x0;
	s2 =	sshll.u32 s2, $0xA;
	s3 =	sshll.u32 s1, $0x9  }
0x5: {  	[smem:$0x7FF] =	sst s5;
	s2 =	sor.u32 s3, s2  }
0x6: {  	s1 =	ssub.s32 $0x2, s1;
	s6 =	sshll.u32 s2, $0x9;
	s2 =	sshrl.u32 s2, $0x3  }
0x7: {  	_ =	strace $0x80000047;
	s0 =	sadd.s32 s0, s2;
	[dreg:$0x5] =	wrdreg s6  }
0x8: {  	s24 =	sshrl.u32 s1, $0x1;
	s25 =	sadd.s32 s4, s6;
	[dreg:$0x7] =	wrdreg s0  }
0x9: {  	s1 =	ssub.s32 s1, s24;
	s28 =	sor.u32 $0x2, s2;
	[dreg:$0x6] =	wrdreg s25  }
.Ltmp0:
0xa: {  	s29 =	sor.u32 $0x3, s2;
	[dreg:$0x9] =	wrdreg s28;
	(pc) =	sbr.rel .LBB2_1-.Ltmp0, $4  }
0xb: {  	s30 =	smax.u32 s1, $0x1;
	[dreg:$0xa] =	wrdreg s29  }
0xc: {  	s17 =	simm.s32 $0x1000;
	s31 =	sor.u32 $0x1000, s6;
	[dreg:$0xb] =	wrdreg s30  }
0xd: {  	s18 =	simm.s32 $0x9000;
	s26 =	sadd.s32 $0x1000, s25;
	[dreg:$0xc] =	wrdreg s31  }
0xe: {  	v0 =	vimm.f32 $0.0e+00;
	s10 =	sadd.s32 $0x800, s23;
	s2 =	simm.s32 $0x0;
	[dreg:$0x8] =	wrdreg s26  }
.LBB2_12:
0xf: {  	s0 =	simm.s32 $0x3  }
0x10: {  	_ =	swait.ge [sflag:s0], $0x4000  }
0x11: {  	[sflag:s0] =	ssyncset.done $0x0  }
0x12: {  	s1 =	simm.s32 $0x4;
	[sflag:s0] =	ssyncadd.s32 $0xFFFFC000  }
0x13: {  	_ =	swait.ge [sflag:s1], $0x4000  }
0x14: {  	s2 =	rddreg [dreg:$0xd]  }
0x15: {  	s31 =	rddreg [dreg:$0xb];
	s2 =	sadd.s32 $0x1, s2  }
0x16: {  	p0 =	sne.s32 s2, s31  }
.Ltmp1:
0x17: {  	_ = 	snop;
	(pc) =	sbr.rel @!p0 .LBB2_13-.Ltmp1, $3  }
0x18: {  	_ =	sdelay $0x1  }
0x19: {  	[sflag:s1] =	ssyncset.done $0x0  }
0x1a: {  	[sflag:s1] =	ssyncadd.s32 $0xFFFFC000  }
.LBB2_1:
0x1b: {  	[dreg:$0xd] =	wrdreg s2  }
0x1c: {  	s0 =	rddreg [dreg:$0x1];
	s1 =	simm.s32 $0x5  }
0x1d: {  	[tilespmem:s5], [sflag:$0x5] =	stream.linear.gather [hbm4b:s0+s5], $0x1000, $0x38;
	[tilespmem:$0x19200] =	vst v63  }
0x1e: {  	_ =	swait.ge [sflag:s1], $0x1000  }
0x1f: {  	[sflag:s1] =	ssyncset.done $0x0  }
0x20: {  	[sflag:s1] =	ssyncadd.s32 $0xFFFFF000  }
0x21: {  	[tilespmem:$0x19000] =	vst v0  }
0x22: {  	[tilespmem:$0x19010] =	vst v0  }
0x23: {  	[tilespmem:$0x19020] =	vst v0  }
0x24: {  	[tilespmem:$0x19030] =	vst v0  }
0x25: {  	[tilespmem:$0x19040] =	vst v0  }
0x26: {  	[tilespmem:$0x19050] =	vst v0  }
0x27: {  	[tilespmem:$0x19060] =	vst v0  }
0x28: {  	[tilespmem:$0x19070] =	vst v0  }
0x29: {  	[tilespmem:$0x19080] =	vst v0  }
0x2a: {  	[tilespmem:$0x19090] =	vst v0  }
0x2b: {  	[tilespmem:$0x190A0] =	vst v0  }
0x2c: {  	[tilespmem:$0x190B0] =	vst v0  }
0x2d: {  	[tilespmem:$0x190C0] =	vst v0  }
0x2e: {  	[tilespmem:$0x190D0] =	vst v0  }
0x2f: {  	[tilespmem:$0x190E0] =	vst v0  }
0x30: {  	[tilespmem:$0x190F0] =	vst v0  }
0x31: {  	[tilespmem:$0x19100] =	vst v0  }
0x32: {  	[tilespmem:$0x19110] =	vst v0  }
0x33: {  	[tilespmem:$0x19120] =	vst v0  }
0x34: {  	[tilespmem:$0x19130] =	vst v0  }
0x35: {  	[tilespmem:$0x19140] =	vst v0  }
0x36: {  	[tilespmem:$0x19150] =	vst v0  }
0x37: {  	[tilespmem:$0x19160] =	vst v0  }
0x38: {  	[tilespmem:$0x19170] =	vst v0  }
0x39: {  	[tilespmem:$0x19180] =	vst v0  }
0x3a: {  	[tilespmem:$0x19190] =	vst v0  }
0x3b: {  	[tilespmem:$0x191A0] =	vst v0  }
0x3c: {  	[tilespmem:$0x191B0] =	vst v0  }
0x3d: {  	[tilespmem:$0x191C0] =	vst v0  }
0x3e: {  	[tilespmem:$0x191D0] =	vst v0  }
0x3f: {  	[tilespmem:$0x191E0] =	vst v0  }
0x40: {  	s29 =	simm.s32 $0x19000;
	s28 =	rddreg [dreg:$0x7];
	[tilespmem:$0x191F0] =	vst v0  }
0x41: {  	[hbm4b:s28+s5] =	stream.linear.scatter [tilespmem:s29], [sflag:$0x5], $0x200, $0x38;
	[tilespmem:$0x19200] =	vst v63  }
0x42: {  	_ =	swait.ge [sflag:s1], $0x200  }
0x43: {  	[sflag:s1] =	ssyncset.done $0x0  }
0x44: {  	s30 =	rddreg [dreg:$0x6];
	[sflag:s1] =	ssyncadd.s32 $0xFFFFFE00  }
0x45: {  	[tilespmem:s17], [sflag:$0x1] =	stream.linear.gather [hbm4b:s30+s5], $0x8000, $0x38;
	[tilespmem:$0x19200] =	vst v63  }
0x46: {  	s26 =	simm.s32 $0x0;
	s31 =	rddreg [dreg:$0x8]  }
0x47: {  	[tilespmem:s18], [sflag:$0x2] =	stream.linear.gather [hbm4b:s31+s5], $0x8000, $0x38;
	[tilespmem:$0x19200] =	vst v63  }
.LBB2_2:
0x48: {  	s0 =	simm.s32 $0x1  }
0x49: {  	_ =	swait.ge [sflag:s0], $0x8000  }
0x4a: {  	p0 =	seq.s32 s26, $0x0;
	[sflag:s0] =	ssyncset.done $0x0  }
0x4b: {  	s1 =	simm.s32 $0x0;
	[sflag:s0] =	ssyncadd.s32 $0xFFFF8000;
	s0 =	simm.s32 @!p0 $0x3  }
0x4c: {  	s2 =	sand.u32 $0x40, s1;
	_ =	swait.ge @!p0 [sflag:s0], $0x4000  }
0x4d: {  	s3 =	sand.u32 $0x780, s1;
	s4 =	sor.u32 $0x30, s2;
	[sflag:s0] =	ssyncset.done @!p0 $0x0  }
0x4e: {  	s13 =	sor.u32 s4, s3;
	[sflag:s0] =	ssyncadd.s32 @!p0 $0xFFFFC000  }
0x4f: {  	v1 =	vld [tilespmem:s13+$0x0]  }
0x50: {  	s14 =	sor.u32 $0x10, s2;
	v2 =	vld [tilespmem:s1+$0x0]  }
0x51: {  	s6 =	sor.u32 $0x20, s2;
	s7 =	sor.u32 s14, s3  }
0x52: {  	s3 =	sor.u32 s6, s3;
	v3 =	vld [tilespmem:s7+$0x0]  }
0x53: {  	v4 =	vld [tilespmem:s3+$0x0]  }
0x54: {  	v5 =	vshll.u32 v1, $0x3  }
0x55: {  	v6 =	vshll.u32 v2, $0x3;
	v1 =	vand.u32 $0x7F, v1;
	v5 =	vand.u32 $0xFFFFFC00, v5  }
0x56: {  	v2 =	vand.u32 $0x7F, v2;
	v7 =	vand.u32 $0xFFFFFC00, v6;
	v6 =	vor.u32 v1, v5  }
0x57: {  	v1 =	vor.u32 v2, v7;
	v2 =	vshll.u32 v3, $0x3  }
0x58: {  	v5 =	vshll.u32 v4, $0x3;
	v3 =	vand.u32 $0x7F, v3;
	v2 =	vand.u32 $0xFFFFFC00, v2  }
0x59: {  	v7 =	vand.u32 $0xFFFFFC00, v5;
	v5 =	vor.u32 v3, v2;
	v2 =	vand.u32 $0x7F, v4  }
0x5a: {  	v4 =	vor.u32 v2, v7  }
0x5b: {  	v2 =	vld.idx.msk [tilespmem:v6+s17+$0x0], $0xffff  }
0x5c: {  	v7 =	vor.u32 $0x80, v6;
	v3 =	vld.idx.msk [tilespmem:v1+s17+$0x0], $0xffff  }
0x5d: {  	s1 =	sand.u32 $0x3C00, s1;
	v8 =	vor.u32 $0x80, v1  }
0x5e: {  	s15 =	sadd.s32 $0x11000, s1;
	v9 =	vld.idx.msk [tilespmem:v5+s17+$0x0], $0xffff  }
0x5f: {  	s4 =	sor.u32 s4, s15;
	v10 =	vor.u32 $0x80, v5;
	v11 =	vld.idx.msk [tilespmem:v4+s17+$0x0], $0xffff  }
0x60: {  	s1 =	sor.u32 s2, s15;
	v12 =	vor.u32 $0x80, v4;
	[tilespmem:s4+$0x0] =	vst v2  }
0x61: {  	[tilespmem:s1+$0x0] =	vst v3;
	v2 =	vld.idx.msk [tilespmem:v7+s17+$0x0], $0xffff  }
0x62: {  	s16 =	sor.u32 s14, s15;
	v3 =	vld.idx.msk [tilespmem:v8+s17+$0x0], $0xffff;
	v7 =	vor.u32 $0x100, v6  }
0x63: {  	s19 =	sor.u32 s6, s15;
	v8 =	vor.u32 $0x100, v1;
	[tilespmem:s16+$0x0] =	vst v9  }
0x64: {  	v9 =	vld.idx.msk [tilespmem:v10+s17+$0x0], $0xffff;
	[tilespmem:s19+$0x0] =	vst v11  }
0x65: {  	v10 =	vor.u32 $0x100, v5;
	v11 =	vld.idx.msk [tilespmem:v12+s17+$0x0], $0xffff  }
0x66: {  	v12 =	vor.u32 $0x100, v4;
	[tilespmem:s4+$0x80] =	vst v2  }
0x67: {  	[tilespmem:s1+$0x80] =	vst v3;
	v2 =	vld.idx.msk [tilespmem:v7+s17+$0x0], $0xffff  }
0x68: {  	v3 =	vld.idx.msk [tilespmem:v8+s17+$0x0], $0xffff;
	v7 =	vor.u32 $0x180, v6  }
0x69: {  	v8 =	vor.u32 $0x180, v1;
	[tilespmem:s16+$0x80] =	vst v9  }
0x6a: {  	v9 =	vld.idx.msk [tilespmem:v10+s17+$0x0], $0xffff;
	[tilespmem:s19+$0x80] =	vst v11  }
0x6b: {  	s29 =	simm.s32 $0x40;
	v10 =	vor.u32 $0x180, v5;
	v11 =	vld.idx.msk [tilespmem:v12+s17+$0x0], $0xffff  }
0x6c: {  	s20 =	sand.u32 $0x40, s29;
	v12 =	vld [tilespmem:s29+$0x0];
	[tilespmem:s4+$0x100] =	vst v2  }
0x6d: {  	s9 =	sand.u32 $0x780, s29;
	s8 =	sor.u32 $0x30, s20;
	[tilespmem:s1+$0x100] =	vst v3;
	v2 =	vld.idx.msk [tilespmem:v7+s17+$0x0], $0xffff  }
0x6e: {  	s21 =	sor.u32 s8, s9;
	v3 =	vor.u32 $0x180, v4;
	v7 =	vld.idx.msk [tilespmem:v8+s17+$0x0], $0xffff  }
0x6f: {  	s22 =	sor.u32 $0x10, s20;
	v8 =	vor.u32 $0x200, v6;
	[tilespmem:s16+$0x100] =	vst v9;
	v9 =	vld [tilespmem:s21+$0x0]  }
0x70: {  	s24 =	sor.u32 $0x20, s20;
	s11 =	sor.u32 s22, s9;
	v10 =	vld.idx.msk [tilespmem:v10+s17+$0x0], $0xffff  }
0x71: {  	s9 =	sor.u32 s24, s9;
	v14 =	vld [tilespmem:s11+$0x0];
	v13 =	vor.u32 $0x200, v5;
	v15 =	vshll.u32 v12, $0x3  }
0x72: {  	v16 =	vld [tilespmem:s9+$0x0];
	[tilespmem:s19+$0x100] =	vst v11;
	v11 =	vor.u32 $0x200, v1;
	v12 =	vand.u32 $0x7F, v12;
	v15 =	vand.u32 $0xFFFFFC00, v15  }
0x73: {  	p1 =	por $0x0, $0x0;
	v17 =	vld.idx.msk [tilespmem:v3+s17+$0x0], $0xffff;
	[tilespmem:s4+$0x180] =	vst v2;
	v2 =	vor.u32 v12, v15;
	s4 =	simm.s32 $0x1  }
0x74: {  	v12 =	vor.u32 $0x200, v4;
	v8 =	vld.idx.msk [tilespmem:v8+s17+$0x0], $0xffff;
	v3 =	vshll.u32 v9, $0x3;
	s4 =	simm.s32 @!p1 $0x0  }
0x75: {  	v9 =	vand.u32 $0x7F, v9;
	[tilespmem:s16+$0x180] =	vst v10;
	v3 =	vand.u32 $0xFFFFFC00, v3;
	s25 =	sshll.u32 s4, $0x6;
	v10 =	vor.u32 $0x280, v6  }
0x76: {  	v15 =	vor.u32 $0x280, v5;
	[tilespmem:s1+$0x180] =	vst v7;
	v7 =	vld.idx.msk [tilespmem:v13+s17+$0x0], $0xffff;
	v13 =	vshll.u32 v14, $0x3;
	v3 =	vor.u32 v9, v3;
	s1 =	sadd.s32 $0x0, s25  }
0x77: {  	v9 =	vld.idx.msk [tilespmem:v11+s17+$0x0], $0xffff;
	v11 =	vshll.u32 v16, $0x3;
	v14 =	vand.u32 $0x7F, v14;
	v13 =	vand.u32 $0xFFFFFC00, v13;
	s2 =	sadd.s32 $0x30, s1  }
0x78: {  	v11 =	vand.u32 $0xFFFFFC00, v11;
	[tilespmem:s19+$0x180] =	vst v17;
	v18 =	vld.idx.msk [tilespmem:v2+s17+$0x0], $0xffff;
	v22 =	vor.u32 v14, v13;
	v13 =	vand.u32 $0x7F, v16;
	s4 =	sor.u32 $0x200, s2  }
0x79: {  	s9 =	sadd.s32 $0x10, s1;
	v12 =	vld.idx.msk [tilespmem:v12+s17+$0x0], $0xffff;
	v11 =	vor.u32 v13, v11;
	[tilespmem:s4+$0x11000] =	vst v8  }
0x7a: {  	s13 =	sor.u32 $0x200, s9;
	v8 =	vor.u32 $0x280, v1;
	v10 =	vld.idx.msk [tilespmem:v10+s17+$0x0], $0xffff  }
0x7b: {  	s0 =	simm.s32 $0x200;
	s15 =	sor.u32 $0x200, s1;
	v13 =	vor.u32 $0x280, v4;
	v14 =	vld.idx.msk [tilespmem:v3+s17+$0x0], $0xffff;
	[tilespmem:s13+$0x11000] =	vst v7  }
0x7c: {  	s16 =	sand.u32 $0x3C00, s0;
	s14 =	sadd.s32 $0x20, s1;
	[tilespmem:s15+$0x11000] =	vst v9;
	v9 =	vor.u32 $0x80, v2;
	v7 =	vld.idx.msk [tilespmem:v15+s17+$0x0], $0xffff  }
0x7d: {  	s11 =	sadd.s32 $0x11000, s16;
	s12 =	sor.u32 $0x200, s14;
	v15 =	vor.u32 $0x300, v6;
	v16 =	vld.idx.msk [tilespmem:v22+s17+$0x0], $0xffff  }
0x7e: {  	v17 =	vor.u32 $0x80, v3;
	s16 =	sor.u32 s20, s11;
	[tilespmem:s12+$0x11000] =	vst v12;
	v19 =	vld.idx.msk [tilespmem:v11+s17+$0x0], $0xffff  }
0x7f: {  	v20 =	vor.u32 $0x80, v22;
	s13 =	sor.u32 $0x280, s2;
	[tilespmem:s16+$0x0] =	vst v18;
	v23 =	vld.idx.msk [tilespmem:v8+s17+$0x0], $0xffff  }
0x80: {  	s12 =	sor.u32 s8, s11;
	v8 =	vor.u32 $0x80, v11;
	v12 =	vld.idx.msk [tilespmem:v13+s17+$0x0], $0xffff;
	[tilespmem:s13+$0x11000] =	vst v10  }
0x81: {  	s19 =	sor.u32 $0x280, s9;
	v10 =	vor.u32 $0x300, v5;
	[tilespmem:s12+$0x0] =	vst v14;
	v9 =	vld.idx.msk [tilespmem:v9+s17+$0x0], $0xffff  }
0x82: {  	s31 =	sor.u32 s22, s11;
	v14 =	vor.u32 $0x300, v4;
	v13 =	vld.idx.msk [tilespmem:v15+s17+$0x0], $0xffff;
	[tilespmem:s19+$0x11000] =	vst v7  }
0x83: {  	s7 =	sor.u32 s24, s11;
	v6 =	vor.u32 $0x380, v6;
	v17 =	vld.idx.msk [tilespmem:v17+s17+$0x0], $0xffff;
	[tilespmem:s31+$0x0] =	vst v16  }
0x84: {  	s20 =	sor.u32 $0x280, s14;
	v18 =	vor.u32 $0x100, v3;
	v16 =	vld.idx.msk [tilespmem:v20+s17+$0x0], $0xffff;
	[tilespmem:s7+$0x0] =	vst v19  }
0x85: {  	s22 =	sor.u32 $0x280, s1;
	v20 =	vor.u32 $0x100, v2;
	[tilespmem:s20+$0x11000] =	vst v12;
	v8 =	vld.idx.msk [tilespmem:v8+s17+$0x0], $0xffff  }
0x86: {  	s21 =	sor.u32 $0x300, s2;
	v7 =	vor.u32 $0x100, v22;
	[tilespmem:s22+$0x11000] =	vst v23;
	v24 =	vld.idx.msk [tilespmem:v10+s17+$0x0], $0xffff  }
0x87: {  	v21 =	vor.u32 $0x100, v11;
	v15 =	vld.idx.msk [tilespmem:v14+s17+$0x0], $0xffff;
	[tilespmem:s21+$0x11000] =	vst v13  }
0x88: {  	[tilespmem:s12+$0x80] =	vst v17;
	v17 =	vor.u32 $0x300, v1;
	v25 =	vld.idx.msk [tilespmem:v6+s17+$0x0], $0xffff  }
0x89: {  	v26 =	vor.u32 $0x380, v5;
	[tilespmem:s16+$0x80] =	vst v9;
	v19 =	vld.idx.msk [tilespmem:v18+s17+$0x0], $0xffff  }
0x8a: {  	v5 =	vor.u32 $0x380, v22;
	v18 =	vld.idx.msk [tilespmem:v20+s17+$0x0], $0xffff;
	[tilespmem:s31+$0x80] =	vst v16  }
0x8b: {  	s28 =	sshll.u32 s26, $0x1;
	v12 =	vor.u32 $0x200, v22;
	v23 =	vor.u32 $0x180, v3;
	v14 =	vor.u32 $0x180, v22;
	v20 =	vld.idx.msk [tilespmem:v7+s17+$0x0], $0xffff;
	[tilespmem:s7+$0x80] =	vst v8  }
0x8c: {  	s24 =	sor.u32 $0x300, s9;
	s30 =	sor.u32 $0x300, s14;
	s25 =	sor.u32 $0x380, s2;
	v9 =	vor.u32 $0x280, v22;
	v7 =	vor.u32 $0x300, v22;
	v22 =	vor.u32 $0x180, v2;
	v21 =	vld.idx.msk [tilespmem:v21+s17+$0x0], $0xffff  }
0x8d: {  	s3 =	sor.u32 $0x380, s14;
	s15 =	sor.u32 $0x300, s1;
	s2 =	sor.u32 $0x380, s1;
	v4 =	vor.u32 $0x380, v4;
	v10 =	vor.u32 $0x200, v11;
	v13 =	vor.u32 $0x180, v11;
	[tilespmem:s24+$0x11000] =	vst v24;
	v16 =	vld.idx.msk [tilespmem:v17+s17+$0x0], $0xffff  }
0x8e: {  	s8 =	simm.s32 $0x4;
	s13 =	sor.u32 $0x380, s9;
	s9 =	simm.s32 $0x80;
	v6 =	vor.u32 $0x300, v11;
	v8 =	vor.u32 $0x280, v11;
	v11 =	vor.u32 $0x380, v11;
	v17 =	vld.idx.msk [tilespmem:v26+s17+$0x0], $0xffff;
	[tilespmem:s25+$0x11000] =	vst v25  }
.LBB2_3:
0x8f: {  	v24 =	vld [tilespmem:s9+$0x0];
	[tilespmem:s12+$0x100] =	vst v19;
	s29 =	sadd.s32 $0x40, s29  }
0x90: {  	s8 =	sadd.s32 $0x4, s8;
	s1 =	sand.u32 $0x40, s29;
	[tilespmem:s16+$0x100] =	vst v18;
	v18 =	vld.idx.msk [tilespmem:v23+s17+$0x0], $0xffff  }
0x91: {  	s11 =	sand.u32 $0x780, s29;
	p2 =	slt.u32 s8, $0x7C;
	s4 =	sor.u32 $0x30, s1;
	v19 =	vld.idx.msk [tilespmem:v22+s17+$0x0], $0xffff;
	[tilespmem:s31+$0x100] =	vst v20  }
0x92: {  	s25 =	sor.u32 $0x10, s1;
	s6 =	sor.u32 $0x20, s1;
	v20 =	vor.u32 $0x200, v3;
	s14 =	sor.u32 s4, s11;
	v14 =	vld.idx.msk [tilespmem:v14+s17+$0x0], $0xffff;
	[tilespmem:s7+$0x100] =	vst v21  }
0x93: {  	v22 =	vor.u32 $0x200, v2;
	s19 =	sor.u32 s25, s11;
	s11 =	sor.u32 s6, s11;
	v21 =	vld [tilespmem:s14+$0x0];
	[tilespmem:s30+$0x11000] =	vst v15  }
0x94: {  	v15 =	vld [tilespmem:s19+$0x0];
	[tilespmem:s15+$0x11000] =	vst v16  }
0x95: {  	v16 =	vshll.u32 v24, $0x3;
	v23 =	vld [tilespmem:s11+$0x0];
	[tilespmem:s13+$0x11000] =	vst v17  }
0x96: {  	v17 =	vand.u32 $0x7F, v24;
	v16 =	vand.u32 $0xFFFFFC00, v16;
	v13 =	vld.idx.msk [tilespmem:v13+s17+$0x0], $0xffff;
	[tilespmem:s12+$0x180] =	vst v18;
	v18 =	vor.u32 $0x380, v1;
	v1 =	vmovc v2  }
0x97: {  	p1 =	por !p1, !p1;
	s11 =	simm.s32 $0x1;
	v2 =	vor.u32 v17, v16;
	[tilespmem:s16+$0x180] =	vst v19;
	v16 =	vld.idx.msk [tilespmem:v20+s17+$0x0], $0xffff  }
0x98: {  	s11 =	simm.s32 @!p1 $0x0;
	v17 =	vshll.u32 v21, $0x3;
	v19 =	vld.idx.msk [tilespmem:v22+s17+$0x0], $0xffff;
	[tilespmem:s31+$0x180] =	vst v14  }
0x99: {  	s11 =	sshll.u32 s11, $0x6;
	v14 =	vand.u32 $0x7F, v21;
	v17 =	vand.u32 $0xFFFFFC00, v17;
	v20 =	vld.idx.msk [tilespmem:v12+s17+$0x0], $0xffff;
	v12 =	vor.u32 $0x280, v3  }
0x9a: {  	s12 =	sadd.s32 s11, s0;
	v21 =	vshll.u32 v15, $0x3;
	v22 =	vshll.u32 v23, $0x3;
	v17 =	vor.u32 v14, v17;
	v24 =	vld.idx.msk [tilespmem:v4+s17+$0x0], $0xffff;
	v4 =	vmovc v11  }
0x9b: {  	s13 =	sadd.s32 $0x10, s12;
	s16 =	sadd.s32 $0x20, s12;
	s11 =	sadd.s32 $0x30, s12;
	v11 =	vand.u32 $0x7F, v15;
	v14 =	vand.u32 $0xFFFFFC00, v21;
	v15 =	vand.u32 $0xFFFFFC00, v22;
	v18 =	vld.idx.msk [tilespmem:v18+s17+$0x0], $0xffff  }
0x9c: {  	s22 =	sor.u32 $0x200, s13;
	s14 =	sor.u32 $0x200, s11;
	v11 =	vor.u32 v11, v14;
	v14 =	vand.u32 $0x7F, v23;
	v22 =	vor.u32 $0x280, v1;
	v21 =	vld.idx.msk [tilespmem:v2+s17+$0x0], $0xffff;
	[tilespmem:s7+$0x180] =	vst v13;
	s7 =	sor.u32 $0x200, s16  }
0x9d: {  	s15 =	sor.u32 $0x200, s12;
	s19 =	sor.u32 $0x280, s13;
	s21 =	sor.u32 $0x280, s16;
	v23 =	vor.u32 $0x80, v11;
	v25 =	vor.u32 $0x100, v11;
	v15 =	vor.u32 v14, v15;
	v26 =	vld.idx.msk [tilespmem:v10+s17+$0x0], $0xffff;
	[tilespmem:s14+$0x11000] =	vst v16  }
0x9e: {  	s20 =	sor.u32 $0x280, s12;
	s30 =	sor.u32 $0x300, s16;
	v14 =	vor.u32 $0x180, v11;
	v16 =	vor.u32 $0x80, v15;
	v27 =	vor.u32 $0x100, v15;
	s14 =	sor.u32 $0x300, s13;
	[tilespmem:s15+$0x11000] =	vst v19;
	v19 =	vld.idx.msk [tilespmem:v12+s17+$0x0], $0xffff  }
0x9f: {  	s16 =	sor.u32 $0x380, s16;
	v13 =	vor.u32 $0x180, v15;
	v10 =	vor.u32 $0x200, v15;
	s13 =	sor.u32 $0x380, s13;
	v12 =	vor.u32 $0x200, v11;
	s15 =	sor.u32 $0x300, s12;
	v28 =	vld.idx.msk [tilespmem:v17+s17+$0x0], $0xffff;
	[tilespmem:s22+$0x11000] =	vst v20  }
0xa0: {  	v30 =	vor.u32 $0x300, v3;
	s12 =	sor.u32 $0x380, s12;
	v20 =	vor.u32 $0x280, v15;
	v29 =	vld.idx.msk [tilespmem:v9+s17+$0x0], $0xffff;
	v9 =	vor.u32 $0x280, v11;
	[tilespmem:s3+$0x11000] =	vst v24;
	s3 =	smov.u32 s16  }
0xa1: {  	s0 =	sadd.s32 $0x200, s0;
	v33 =	vor.u32 $0x80, v17;
	v31 =	vor.u32 $0x300, v11;
	v32 =	vor.u32 $0x300, v15;
	v24 =	vld.idx.msk [tilespmem:v11+s17+$0x0], $0xffff;
	[tilespmem:s2+$0x11000] =	vst v18;
	s2 =	smov.u32 s12  }
0xa2: {  	v34 =	vor.u32 $0x380, v11;
	s12 =	sand.u32 $0x3C00, s0;
	v18 =	vor.u32 $0x80, v2;
	v11 =	vor.u32 $0x380, v15;
	v35 =	vld.idx.msk [tilespmem:v15+s17+$0x0], $0xffff  }
0xa3: {  	s22 =	sadd.s32 $0x11000, s12;
	v36 =	vld.idx.msk [tilespmem:v22+s17+$0x0], $0xffff;
	[tilespmem:s7+$0x11000] =	vst v26;
	s7 =	sor.u32 $0x280, s11  }
0xa4: {  	s16 =	sor.u32 s1, s22;
	s31 =	sor.u32 s25, s22;
	s12 =	sor.u32 s4, s22;
	v15 =	vld.idx.msk [tilespmem:v8+s17+$0x0], $0xffff;
	[tilespmem:s7+$0x11000] =	vst v19;
	v8 =	vmov v20  }
0xa5: {  	s7 =	sor.u32 s6, s22;
	[tilespmem:s12+$0x0] =	vst v28;
	v19 =	vld.idx.msk [tilespmem:v30+s17+$0x0], $0xffff  }
0xa6: {  	[tilespmem:s16+$0x0] =	vst v21;
	v20 =	vld.idx.msk [tilespmem:v33+s17+$0x0], $0xffff  }
0xa7: {  	v21 =	vor.u32 $0x380, v3;
	v3 =	vmov v17;
	v18 =	vld.idx.msk [tilespmem:v18+s17+$0x0], $0xffff;
	[tilespmem:s31+$0x0] =	vst v24  }
0xa8: {  	v22 =	vor.u32 $0x100, v3;
	v17 =	vld.idx.msk [tilespmem:v23+s17+$0x0], $0xffff;
	[tilespmem:s7+$0x0] =	vst v35  }
0xa9: {  	v23 =	vor.u32 $0x100, v2;
	v16 =	vld.idx.msk [tilespmem:v16+s17+$0x0], $0xffff;
	[tilespmem:s19+$0x11000] =	vst v29  }
0xaa: {  	s1 =	sor.u32 $0x300, s11;
	v24 =	vld.idx.msk [tilespmem:v7+s17+$0x0], $0xffff;
	[tilespmem:s21+$0x11000] =	vst v15;
	v7 =	vmov v31  }
0xab: {  	v15 =	vld.idx.msk [tilespmem:v6+s17+$0x0], $0xffff;
	[tilespmem:s1+$0x11000] =	vst v19;
	v6 =	vmov v32  }
0xac: {  	v26 =	vor.u32 $0x300, v1;
	[tilespmem:s12+$0x80] =	vst v20;
	v28 =	vld.idx.msk [tilespmem:v21+s17+$0x0], $0xffff  }
0xad: {  	[tilespmem:s16+$0x80] =	vst v18;
	v19 =	vld.idx.msk [tilespmem:v22+s17+$0x0], $0xffff  }
.Ltmp2:
0xae: {  	v18 =	vld.idx.msk [tilespmem:v23+s17+$0x0], $0xffff;
	[tilespmem:s31+$0x80] =	vst v17;
	(pc) =	sbr.rel @p2 .LBB2_3-.Ltmp2, $4  }
0xaf: {  	v23 =	vor.u32 $0x180, v3;
	v20 =	vld.idx.msk [tilespmem:v25+s17+$0x0], $0xffff;
	[tilespmem:s7+$0x80] =	vst v16  }
0xb0: {  	v22 =	vor.u32 $0x180, v2;
	v21 =	vld.idx.msk [tilespmem:v27+s17+$0x0], $0xffff;
	[tilespmem:s20+$0x11000] =	vst v36  }
0xb1: {  	s1 =	sor.u32 $0x380, s11;
	v16 =	vld.idx.msk [tilespmem:v26+s17+$0x0], $0xffff;
	[tilespmem:s14+$0x11000] =	vst v24  }
0xb2: {  	s9 =	sadd.s32 $0x40, s9;
	v17 =	vld.idx.msk [tilespmem:v5+s17+$0x0], $0xffff;
	[tilespmem:s1+$0x11000] =	vst v28;
	v5 =	vmov v34  }
0xb3: {  	_ =	sdelay $0x2  }
0xb4: {  	[tilespmem:s12+$0x100] =	vst v19  }
0xb5: {  	v19 =	vld.idx.msk [tilespmem:v23+s17+$0x0], $0xffff;
	[tilespmem:s31+$0x100] =	vst v20  }
0xb6: {  	v20 =	vor.u32 $0x200, v3;
	v14 =	vld.idx.msk [tilespmem:v14+s17+$0x0], $0xffff;
	[tilespmem:s7+$0x100] =	vst v21  }
0xb7: {  	v13 =	vld.idx.msk [tilespmem:v13+s17+$0x0], $0xffff;
	_ =	sdelay $0x1  }
0xb8: {  	[tilespmem:s16+$0x100] =	vst v18  }
0xb9: {  	p1 =	por !p1, !p1;
	s1 =	simm.s32 $0x1;
	v18 =	vld.idx.msk [tilespmem:v22+s17+$0x0], $0xffff;
	[tilespmem:s12+$0x180] =	vst v19  }
0xba: {  	v61 =	vor.u32 $0x200, v2;
	s1 =	simm.s32 @!p1 $0x0;
	v19 =	vld.idx.msk [tilespmem:v20+s17+$0x0], $0xffff;
	[tilespmem:s31+$0x180] =	vst v14  }
0xbb: {  	s1 =	sshll.u32 s1, $0x6;
	v14 =	vor.u32 $0x280, v3;
	v12 =	vld.idx.msk [tilespmem:v12+s17+$0x0], $0xffff;
	[tilespmem:s7+$0x180] =	vst v13  }
0xbc: {  	s0 =	sadd.s32 s1, s0;
	v10 =	vld.idx.msk [tilespmem:v10+s17+$0x0], $0xffff  }
0xbd: {  	s1 =	sadd.s32 $0x30, s0  }
0xbe: {  	s4 =	sadd.s32 $0x10, s0;
	s6 =	sor.u32 $0x200, s1;
	[tilespmem:s16+$0x180] =	vst v18  }
0xbf: {  	s9 =	sadd.s32 $0x20, s0;
	s8 =	sor.u32 $0x200, s4;
	v13 =	vld.idx.msk [tilespmem:v61+s17+$0x0], $0xffff;
	[tilespmem:s6+$0x11000] =	vst v19  }
0xc0: {  	s11 =	sor.u32 $0x200, s9;
	v18 =	vor.u32 $0x280, v2;
	v14 =	vld.idx.msk [tilespmem:v14+s17+$0x0], $0xffff;
	[tilespmem:s8+$0x11000] =	vst v12  }
0xc1: {  	v12 =	vor.u32 $0x300, v3;
	v9 =	vld.idx.msk [tilespmem:v9+s17+$0x0], $0xffff;
	[tilespmem:s11+$0x11000] =	vst v10  }
0xc2: {  	v8 =	vld.idx.msk [tilespmem:v8+s17+$0x0], $0xffff  }
0xc3: {  	[tilespmem:s30+$0x11000] =	vst v15;
	s12 =	sor.u32 $0x200, s0  }
0xc4: {  	s14 =	sor.u32 $0x280, s1;
	[tilespmem:s12+$0x11000] =	vst v13  }
0xc5: {  	v1 =	vor.u32 $0x380, v1;
	s16 =	sor.u32 $0x280, s4;
	v10 =	vld.idx.msk [tilespmem:v18+s17+$0x0], $0xffff;
	[tilespmem:s14+$0x11000] =	vst v14  }
0xc6: {  	s19 =	sor.u32 $0x280, s9;
	v13 =	vor.u32 $0x300, v2;
	v12 =	vld.idx.msk [tilespmem:v12+s17+$0x0], $0xffff;
	[tilespmem:s16+$0x11000] =	vst v9  }
0xc7: {  	v3 =	vor.u32 $0x380, v3;
	v7 =	vld.idx.msk [tilespmem:v7+s17+$0x0], $0xffff;
	[tilespmem:s19+$0x11000] =	vst v8  }
0xc8: {  	[tilespmem:s15+$0x11000] =	vst v16;
	v6 =	vld.idx.msk [tilespmem:v6+s17+$0x0], $0xffff  }
0xc9: {  	v4 =	vld.idx.msk [tilespmem:v4+s17+$0x0], $0xffff;
	s20 =	sor.u32 $0x280, s0;
	[tilespmem:s13+$0x11000] =	vst v17  }
0xca: {  	s21 =	sor.u32 $0x300, s1;
	v1 =	vld.idx.msk [tilespmem:v1+s17+$0x0], $0xffff;
	[tilespmem:s20+$0x11000] =	vst v10  }
0xcb: {  	s22 =	sor.u32 $0x300, s4;
	v8 =	vld.idx.msk [tilespmem:v13+s17+$0x0], $0xffff;
	[tilespmem:s21+$0x11000] =	vst v12  }
0xcc: {  	s24 =	sor.u32 $0x300, s9;
	v2 =	vor.u32 $0x380, v2;
	v3 =	vld.idx.msk [tilespmem:v3+s17+$0x0], $0xffff;
	[tilespmem:s22+$0x11000] =	vst v7  }
0xcd: {  	v5 =	vld.idx.msk [tilespmem:v5+s17+$0x0], $0xffff;
	[tilespmem:s24+$0x11000] =	vst v6  }
0xce: {  	[tilespmem:s3+$0x11000] =	vst v4;
	v6 =	vld.idx.msk [tilespmem:v11+s17+$0x0], $0xffff  }
0xcf: {  	s25 =	sor.u32 $0x300, s0;
	[tilespmem:s2+$0x11000] =	vst v1  }
0xd0: {  	s1 =	sor.u32 $0x380, s1;
	[tilespmem:s25+$0x11000] =	vst v8  }
0xd1: {  	s4 =	sor.u32 $0x380, s4;
	v2 =	vld.idx.msk [tilespmem:v2+s17+$0x0], $0xffff;
	[tilespmem:s1+$0x11000] =	vst v3  }
0xd2: {  	s6 =	sor.u32 $0x380, s9;
	[tilespmem:s4+$0x11000] =	vst v5  }
0xd3: {  	[tilespmem:s6+$0x11000] =	vst v6  }
0xd4: {  	s29 =	sshll.u32 s26, $0xD;
	s1 =	rddreg [dreg:$0x5]  }
0xd5: {  	s0 =	sor.u32 $0x380, s0;
	s30 =	sadd.s32 s1, s29  }
0xd6: {  	s8 =	simm.s32 $0x11000;
	[tilespmem:s0+$0x11000] =	vst v2;
	s0 =	simm.s32 @!p0 $0x4;
	s7 =	sadd.s32 s23, s30  }
0xd7: {  	[hbm4b:s7+s5] =	stream.linear.scatter [tilespmem:s8], [sflag:$0x3], $0x4000, $0x38;
	[tilespmem:$0x19200] =	vst v63  }
0xd8: {  	_ =	swait.ge @!p0 [sflag:s0], $0x4000  }
0xd9: {  	s9 =	simm.s32 $0x0;
	[sflag:s0] =	ssyncset.done @!p0 $0x0  }
0xda: {  	s11 =	sand.u32 $0x7C0, s9;
	[sflag:s0] =	ssyncadd.s32 @!p0 $0xFFFFC000  }
0xdb: {  	v1 =	vld [tilespmem:s11+$0x800];
	_ =	sdelay $0x4  }
0xdc: {  	s12 =	simm.s32 $0x830;
	v2 =	vshll.u32 v1, $0x3  }
0xdd: {  	v3 =	vld [tilespmem:s12+$0xFFFFFFE0];
	v1 =	vand.u32 $0x7F, v1;
	v2 =	vand.u32 $0xFFFFFC00, v2  }
0xde: {  	v9 =	vor.u32 v1, v2  }
0xdf: {  	v1 =	vld [tilespmem:s12+$0xFFFFFFF0]  }
0xe0: {  	v4 =	vld [tilespmem:s12+$0x0];
	_ =	sdelay $0x1  }
0xe1: {  	v2 =	vshll.u32 v3, $0x3  }
0xe2: {  	v3 =	vand.u32 $0x7F, v3;
	v2 =	vand.u32 $0xFFFFFC00, v2;
	v5 =	vld.idx.msk [tilespmem:v9+s17+$0x0], $0xffff  }
0xe3: {  	v6 =	vor.u32 $0x80, v9;
	v3 =	vor.u32 v3, v2;
	v2 =	vshll.u32 v1, $0x3  }
0xe4: {  	v7 =	vshll.u32 v4, $0x3;
	v1 =	vand.u32 $0x7F, v1;
	v2 =	vand.u32 $0xFFFFFC00, v2  }
0xe5: {  	s13 =	sand.u32 $0x40, s9;
	s1 =	sand.u32 $0x3C00, s9;
	v2 =	vor.u32 v1, v2;
	v1 =	vand.u32 $0x7F, v4;
	v4 =	vand.u32 $0xFFFFFC00, v7  }
0xe6: {  	s0 =	sor.u32 s13, s1;
	v1 =	vor.u32 v1, v4  }
0xe7: {  	[tilespmem:s0+$0x15000] =	vst v5  }
0xe8: {  	v4 =	vld.idx.msk [tilespmem:v6+s17+$0x0], $0xffff  }
0xe9: {  	v5 =	vor.u32 $0x100, v9;
	v6 =	vld.idx.msk [tilespmem:v3+s17+$0x0], $0xffff  }
0xea: {  	v8 =	vor.u32 $0x80, v3;
	v7 =	vld.idx.msk [tilespmem:v2+s17+$0x0], $0xffff  }
0xeb: {  	v11 =	vor.u32 $0x80, v2;
	v10 =	vld.idx.msk [tilespmem:v1+s17+$0x0], $0xffff  }
0xec: {  	v12 =	vor.u32 $0x80, v1;
	s0 =	sadd.s32 $0x15000, s0  }
0xed: {  	[tilespmem:s0+$0x80] =	vst v4  }
0xee: {  	[tilespmem:s0+$0x10] =	vst v6;
	v4 =	vld.idx.msk [tilespmem:v5+s17+$0x0], $0xffff  }
0xef: {  	v6 =	vor.u32 $0x180, v9;
	v8 =	vld.idx.msk [tilespmem:v8+s17+$0x0], $0xffff;
	[tilespmem:s0+$0x20] =	vst v7  }
0xf0: {  	v7 =	vld.idx.msk [tilespmem:v11+s17+$0x0], $0xffff;
	[tilespmem:s0+$0x30] =	vst v10;
	v10 =	vor.u32 $0x100, v3  }
0xf1: {  	s14 =	simm.s32 $0x870;
	v11 =	vld.idx.msk [tilespmem:v12+s17+$0x0], $0xffff  }
0xf2: {  	v13 =	vld [tilespmem:s14+$0xFFFFFFF0];
	v12 =	vor.u32 $0x100, v2  }
0xf3: {  	v5 =	vld [tilespmem:s14+$0xFFFFFFE0];
	[tilespmem:s0+$0x100] =	vst v4;
	v4 =	vor.u32 $0x100, v1  }
0xf4: {  	s3 =	simm.s32 $0x40;
	[tilespmem:s0+$0x90] =	vst v8;
	v6 =	vld.idx.msk [tilespmem:v6+s17+$0x0], $0xffff  }
0xf5: {  	s15 =	sand.u32 $0x7C0, s3;
	v8 =	vor.u32 $0x200, v9;
	v10 =	vld.idx.msk [tilespmem:v10+s17+$0x0], $0xffff;
	[tilespmem:s0+$0xA0] =	vst v7  }
0xf6: {  	v14 =	vld [tilespmem:s15+$0x800];
	[tilespmem:s0+$0xB0] =	vst v11;
	v11 =	vor.u32 $0x180, v3  }
0xf7: {  	v7 =	vld.idx.msk [tilespmem:v12+s17+$0x0], $0xffff  }
0xf8: {  	v12 =	vor.u32 $0x180, v2;
	v15 =	vld.idx.msk [tilespmem:v4+s17+$0x0], $0xffff;
	v4 =	vshll.u32 v5, $0x3  }
0xf9: {  	v16 =	vld [tilespmem:s14+$0x0];
	v5 =	vand.u32 $0x7F, v5;
	[tilespmem:s0+$0x180] =	vst v6;
	v6 =	vor.u32 $0x180, v1;
	v4 =	vand.u32 $0xFFFFFC00, v4  }
0xfa: {  	p0 =	por $0x0, $0x0;
	s1 =	simm.s32 $0x1;
	[tilespmem:s0+$0x110] =	vst v10;
	v17 =	vld.idx.msk [tilespmem:v8+s17+$0x0], $0xffff;
	v5 =	vor.u32 v5, v4  }
0xfb: {  	s1 =	simm.s32 @!p0 $0x0;
	v10 =	vor.u32 $0x280, v9;
	v8 =	vshll.u32 v14, $0x3;
	v11 =	vld.idx.msk [tilespmem:v11+s17+$0x0], $0xffff  }
0xfc: {  	s1 =	sshll.u32 s1, $0x6;
	v4 =	vand.u32 $0x7F, v14;
	[tilespmem:s0+$0x120] =	vst v7;
	v14 =	vor.u32 $0x200, v3;
	v8 =	vand.u32 $0xFFFFFC00, v8  }
0xfd: {  	s9 =	sadd.s32 $0x0, s1;
	v12 =	vld.idx.msk [tilespmem:v12+s17+$0x0], $0xffff;
	v4 =	vor.u32 v4, v8;
	[tilespmem:s0+$0x130] =	vst v15  }
0xfe: {  	s1 =	sor.u32 $0x200, s9;
	v7 =	vshll.u32 v13, $0x3;
	v15 =	vld.idx.msk [tilespmem:v6+s17+$0x0], $0xffff;
	v6 =	vand.u32 $0x7F, v13;
	v13 =	vor.u32 $0x200, v2  }
0xff: {  	v18 =	vshll.u32 v16, $0x3;
	v7 =	vand.u32 $0xFFFFFC00, v7;
	v8 =	vld.idx.msk [tilespmem:v5+s17+$0x0], $0xffff;
	[tilespmem:s1+$0x15000] =	vst v17;
	v17 =	vor.u32 $0x200, v1  }
0x100: {  	v7 =	vor.u32 v6, v7;
	v6 =	vand.u32 $0x7F, v16;
	v16 =	vand.u32 $0xFFFFFC00, v18;
	[tilespmem:s0+$0x190] =	vst v11;
	v18 =	vld.idx.msk [tilespmem:v10+s17+$0x0], $0xffff  }
0x101: {  	v6 =	vor.u32 v6, v16;
	v19 =	vld.idx.msk [tilespmem:v14+s17+$0x0], $0xffff  }
0x102: {  	[tilespmem:s0+$0x1A0] =	vst v12;
	v12 =	vor.u32 $0x300, v9;
	v11 =	vld.idx.msk [tilespmem:v4+s17+$0x0], $0xffff  }
0x103: {  	v16 =	vor.u32 $0x80, v4;
	v20 =	vld.idx.msk [tilespmem:v13+s17+$0x0], $0xffff;
	[tilespmem:s0+$0x1B0] =	vst v15  }
0x104: {  	s2 =	simm.s32 $0x200;
	s16 =	sand.u32 $0x40, s3;
	v15 =	vor.u32 $0x280, v3;
	v17 =	vld.idx.msk [tilespmem:v17+s17+$0x0], $0xffff  }
0x105: {  	s19 =	sand.u32 $0x3C00, s2;
	s24 =	smov.u32 s23;
	s20 =	sor.u32 $0x280, s9;
	v62 =	vor.u32 $0x280, v2;
	v10 =	vld.idx.msk [tilespmem:v7+s17+$0x0], $0xffff  }
0x106: {  	s6 =	sor.u32 s16, s19;
	s21 =	sadd.s32 $0x10, s9;
	s11 =	sadd.s32 $0x20, s9;
	v63 =	vor.u32 $0x280, v1;
	v13 =	vld.idx.msk [tilespmem:v6+s17+$0x0], $0xffff;
	[tilespmem:s20+$0x15000] =	vst v18  }
0x107: {  	s15 =	simm.s32 $0x4;
	s22 =	sor.u32 $0x200, s21;
	s23 =	sor.u32 $0x200, s11;
	[tilespmem:s6+$0x15000] =	vst v11;
	v14 =	vld.idx.msk [tilespmem:v12+s17+$0x0], $0xffff  }
0x108: {  	s4 =	sor.u32 $0x280, s21;
	s7 =	sor.u32 $0x300, s21;
	s14 =	sadd.s32 $0x30, s9;
	[tilespmem:s22+$0x15000] =	vst v19;
	v16 =	vld.idx.msk [tilespmem:v16+s17+$0x0], $0xffff  }
0x109: {  	s13 =	sor.u32 $0x300, s11;
	s16 =	sor.u32 $0x380, s21;
	s25 =	sor.u32 $0x200, s14;
	v11 =	vld.idx.msk [tilespmem:v15+s17+$0x0], $0xffff;
	[tilespmem:s23+$0x15000] =	vst v20;
	v15 =	vor.u32 $0x380, v9  }
0x10a: {  	s31 =	sor.u32 $0x380, s11;
	s12 =	sor.u32 $0x280, s14;
	s8 =	sor.u32 $0x300, s14;
	v12 =	vld.idx.msk [tilespmem:v62+s17+$0x0], $0xffff;
	[tilespmem:s25+$0x15000] =	vst v17;
	v17 =	vor.u32 $0x100, v4  }
0x10b: {  	s1 =	sor.u32 $0x280, s11;
	s0 =	sor.u32 $0x380, s14;
	v18 =	vor.u32 $0x80, v5;
	s25 =	simm.s32 $0x8B0;
	v9 =	vld.idx.msk [tilespmem:v63+s17+$0x0], $0xffff  }
.LBB2_5:
0x10c: {  	v19 =	vld [tilespmem:s25+$0xFFFFFFE0];
	v20 =	vor.u32 $0x80, v7;
	s11 =	sor.u32 $0x300, s9  }
0x10d: {  	s6 =	sadd.s32 $0x15000, s6;
	v22 =	vor.u32 $0x80, v6;
	v21 =	vld [tilespmem:s25+$0xFFFFFFF0];
	[tilespmem:s11+$0x15000] =	vst v14  }
0x10e: {  	[tilespmem:s6+$0x80] =	vst v16;
	v14 =	vld.idx.msk [tilespmem:v15+s17+$0x0], $0xffff;
	v15 =	vor.u32 $0x300, v3  }
0x10f: {  	v16 =	vld.idx.msk [tilespmem:v17+s17+$0x0], $0xffff;
	[tilespmem:s6+$0x10] =	vst v8;
	v8 =	vor.u32 $0x300, v2  }
0x110: {  	v17 =	vld.idx.msk [tilespmem:v18+s17+$0x0], $0xffff;
	[tilespmem:s6+$0x20] =	vst v10  }
0x111: {  	v10 =	vor.u32 $0x180, v4;
	v18 =	vld.idx.msk [tilespmem:v20+s17+$0x0], $0xffff;
	[tilespmem:s6+$0x30] =	vst v13  }
0x112: {  	v13 =	vor.u32 $0x100, v5;
	v20 =	vld.idx.msk [tilespmem:v22+s17+$0x0], $0xffff;
	[tilespmem:s4+$0x15000] =	vst v11  }
0x113: {  	v11 =	vor.u32 $0x100, v7;
	s4 =	sor.u32 $0x380, s9;
	v15 =	vld.idx.msk [tilespmem:v15+s17+$0x0], $0xffff;
	[tilespmem:s1+$0x15000] =	vst v12  }
0x114: {  	[tilespmem:s4+$0x15000] =	vst v14;
	v8 =	vld.idx.msk [tilespmem:v8+s17+$0x0], $0xffff  }
0x115: {  	v14 =	vor.u32 $0x100, v6;
	v12 =	vld [tilespmem:s25+$0x0];
	[tilespmem:s6+$0x100] =	vst v16  }
0x116: {  	v16 =	vor.u32 $0x300, v1;
	v10 =	vld.idx.msk [tilespmem:v10+s17+$0x0], $0xffff;
	[tilespmem:s6+$0x90] =	vst v17  }
0x117: {  	s3 =	sadd.s32 $0x40, s3;
	v17 =	vor.u32 $0x380, v3;
	v3 =	vmov v5;
	v13 =	vld.idx.msk [tilespmem:v13+s17+$0x0], $0xffff;
	[tilespmem:s6+$0xA0] =	vst v18  }
0x118: {  	s15 =	sadd.s32 $0x4, s15;
	s1 =	sand.u32 $0x7C0, s3;
	v5 =	vor.u32 $0x200, v4;
	v11 =	vld.idx.msk [tilespmem:v11+s17+$0x0], $0xffff;
	[tilespmem:s6+$0xB0] =	vst v20  }
0x119: {  	p1 =	slt.u32 s15, $0x7C;
	v20 =	vor.u32 $0x180, v3;
	v18 =	vld [tilespmem:s1+$0x800];
	[tilespmem:s12+$0x15000] =	vst v9  }
0x11a: {  	v9 =	vor.u32 $0x180, v7;
	v14 =	vld.idx.msk [tilespmem:v14+s17+$0x0], $0xffff;
	[tilespmem:s7+$0x15000] =	vst v15  }
0x11b: {  	[tilespmem:s13+$0x15000] =	vst v8;
	v8 =	vor.u32 $0x380, v2;
	v15 =	vld.idx.msk [tilespmem:v16+s17+$0x0], $0xffff;
	v2 =	vmov v7  }
0x11c: {  	v7 =	vshll.u32 v19, $0x3;
	[tilespmem:s6+$0x180] =	vst v10;
	v10 =	vor.u32 $0x180, v6;
	v16 =	vld.idx.msk [tilespmem:v17+s17+$0x0], $0xffff  }
0x11d: {  	v17 =	vand.u32 $0x7F, v19;
	v7 =	vand.u32 $0xFFFFFC00, v7;
	v19 =	vld.idx.msk [tilespmem:v5+s17+$0x0], $0xffff;
	[tilespmem:s6+$0x110] =	vst v13;
	v13 =	vor.u32 $0x380, v1;
	v1 =	vmovc v6  }
0x11e: {  	p0 =	por !p0, !p0;
	s1 =	simm.s32 $0x1;
	v5 =	vor.u32 v17, v7;
	v6 =	vshll.u32 v18, $0x3;
	v17 =	vld.idx.msk [tilespmem:v20+s17+$0x0], $0xffff;
	[tilespmem:s6+$0x120] =	vst v11  }
0x11f: {  	s1 =	simm.s32 @!p0 $0x0;
	v7 =	vand.u32 $0x7F, v18;
	v11 =	vor.u32 $0x280, v4;
	v6 =	vand.u32 $0xFFFFFC00, v6;
	v9 =	vld.idx.msk [tilespmem:v9+s17+$0x0], $0xffff  }
0x120: {  	s1 =	sshll.u32 s1, $0x6;
	v18 =	vor.u32 v7, v6;
	[tilespmem:s6+$0x130] =	vst v14;
	v14 =	vld.idx.msk [tilespmem:v8+s17+$0x0], $0xffff  }
0x121: {  	s9 =	sadd.s32 s1, s2;
	v20 =	vor.u32 $0x200, v3;
	v10 =	vld.idx.msk [tilespmem:v10+s17+$0x0], $0xffff;
	[tilespmem:s8+$0x15000] =	vst v15  }
0x122: {  	s1 =	sor.u32 $0x200, s9;
	s11 =	sadd.s32 $0x20, s9;
	v6 =	vand.u32 $0x7F, v21;
	v7 =	vshll.u32 v21, $0x3;
	s8 =	sadd.s32 $0x10, s9;
	v15 =	vor.u32 $0x200, v2;
	[tilespmem:s16+$0x15000] =	vst v16;
	v13 =	vld.idx.msk [tilespmem:v13+s17+$0x0], $0xffff  }
0x123: {  	s20 =	sadd.s32 $0x30, s9;
	s19 =	sor.u32 $0x200, s11;
	v7 =	vand.u32 $0xFFFFFC00, v7;
	v16 =	vshll.u32 v12, $0x3;
	s14 =	sor.u32 $0x200, s8;
	v8 =	vld.idx.msk [tilespmem:v5+s17+$0x0], $0xffff;
	[tilespmem:s1+$0x15000] =	vst v19;
	v19 =	vor.u32 $0x200, v1  }
0x124: {  	s21 =	sor.u32 $0x200, s20;
	v7 =	vor.u32 v6, v7;
	v6 =	vand.u32 $0x7F, v12;
	s4 =	sor.u32 $0x280, s8;
	v12 =	vand.u32 $0xFFFFFC00, v16;
	s1 =	sor.u32 $0x280, s11;
	v11 =	vld.idx.msk [tilespmem:v11+s17+$0x0], $0xffff;
	[tilespmem:s6+$0x190] =	vst v17  }
0x125: {  	s13 =	sor.u32 $0x300, s11;
	s12 =	sor.u32 $0x280, s20;
	s7 =	sor.u32 $0x300, s8;
	v6 =	vor.u32 v6, v12;
	v16 =	vld.idx.msk [tilespmem:v18+s17+$0x0], $0xffff;
	[tilespmem:s6+$0x1A0] =	vst v9  }
0x126: {  	s16 =	sor.u32 $0x380, s8;
	s8 =	sor.u32 $0x300, s20;
	v9 =	vor.u32 $0x300, v4;
	v12 =	vld.idx.msk [tilespmem:v20+s17+$0x0], $0xffff;
	[tilespmem:s31+$0x15000] =	vst v14;
	s31 =	sor.u32 $0x380, s11  }
0x127: {  	v17 =	vor.u32 $0x80, v18;
	v20 =	vld.idx.msk [tilespmem:v15+s17+$0x0], $0xffff;
	[tilespmem:s6+$0x1B0] =	vst v10;
	s6 =	sor.u32 $0x380, s20  }
0x128: {  	s2 =	sadd.s32 $0x200, s2;
	v21 =	vor.u32 $0x280, v3;
	v19 =	vld.idx.msk [tilespmem:v19+s17+$0x0], $0xffff;
	[tilespmem:s0+$0x15000] =	vst v13;
	s0 =	smov.u32 s6  }
0x129: {  	v22 =	vor.u32 $0x280, v2;
	s11 =	sand.u32 $0x3C00, s2;
	s20 =	sor.u32 $0x280, s9;
	s6 =	sand.u32 $0x40, s3;
	v10 =	vld.idx.msk [tilespmem:v7+s17+$0x0], $0xffff  }
0x12a: {  	v23 =	vor.u32 $0x280, v1;
	s6 =	sor.u32 s6, s11;
	v13 =	vld.idx.msk [tilespmem:v6+s17+$0x0], $0xffff;
	[tilespmem:s20+$0x15000] =	vst v11  }
.Ltmp3:
0x12b: {  	[tilespmem:s6+$0x15000] =	vst v16;
	v14 =	vld.idx.msk [tilespmem:v9+s17+$0x0], $0xffff;
	(pc) =	sbr.rel @p1 .LBB2_5-.Ltmp3, $4  }
0x12c: {  	v16 =	vld.idx.msk [tilespmem:v17+s17+$0x0], $0xffff;
	[tilespmem:s14+$0x15000] =	vst v12  }
0x12d: {  	v15 =	vor.u32 $0x380, v4;
	v4 =	vmov v18;
	v11 =	vld.idx.msk [tilespmem:v21+s17+$0x0], $0xffff;
	[tilespmem:s19+$0x15000] =	vst v20  }
0x12e: {  	v17 =	vor.u32 $0x100, v4;
	v12 =	vld.idx.msk [tilespmem:v22+s17+$0x0], $0xffff;
	[tilespmem:s21+$0x15000] =	vst v19  }
0x12f: {  	s25 =	sadd.s32 $0x40, s25;
	v18 =	vor.u32 $0x80, v5;
	v9 =	vld.idx.msk [tilespmem:v23+s17+$0x0], $0xffff  }
0x130: {  	v19 =	vor.u32 $0x80, v7  }
0x131: {  	v20 =	vor.u32 $0x80, v6  }
0x132: {  	s3 =	sadd.s32 $0x15000, s6  }
0x133: {  	[tilespmem:s3+$0x10] =	vst v8  }
0x134: {  	[tilespmem:s3+$0x20] =	vst v10;
	v8 =	vld.idx.msk [tilespmem:v18+s17+$0x0], $0xffff  }
0x135: {  	[tilespmem:s3+$0x30] =	vst v13;
	v13 =	vor.u32 $0x100, v5;
	v10 =	vld.idx.msk [tilespmem:v19+s17+$0x0], $0xffff  }
0x136: {  	v18 =	vld.idx.msk [tilespmem:v20+s17+$0x0], $0xffff;
	v19 =	vor.u32 $0x100, v7  }
0x137: {  	v20 =	vor.u32 $0x100, v6  }
0x138: {  	[tilespmem:s3+$0x80] =	vst v16  }
0x139: {  	v16 =	vld.idx.msk [tilespmem:v17+s17+$0x0], $0xffff;
	[tilespmem:s3+$0x90] =	vst v8  }
0x13a: {  	v8 =	vor.u32 $0x180, v4;
	v13 =	vld.idx.msk [tilespmem:v13+s17+$0x0], $0xffff;
	[tilespmem:s3+$0xA0] =	vst v10  }
0x13b: {  	v17 =	vor.u32 $0x180, v5;
	[tilespmem:s3+$0xB0] =	vst v18;
	v10 =	vld.idx.msk [tilespmem:v19+s17+$0x0], $0xffff  }
0x13c: {  	s22 =	sor.u32 $0x300, s9;
	v18 =	vor.u32 $0x180, v7;
	v19 =	vld.idx.msk [tilespmem:v20+s17+$0x0], $0xffff  }
0x13d: {  	[tilespmem:s22+$0x15000] =	vst v14;
	v14 =	vor.u32 $0x180, v6  }
0x13e: {  	[tilespmem:s3+$0x100] =	vst v16  }
0x13f: {  	v8 =	vld.idx.msk [tilespmem:v8+s17+$0x0], $0xffff;
	[tilespmem:s3+$0x110] =	vst v13  }
0x140: {  	v13 =	vor.u32 $0x200, v4;
	v16 =	vld.idx.msk [tilespmem:v17+s17+$0x0], $0xffff;
	[tilespmem:s3+$0x120] =	vst v10  }
0x141: {  	v17 =	vor.u32 $0x200, v5;
	[tilespmem:s3+$0x130] =	vst v19;
	v10 =	vld.idx.msk [tilespmem:v18+s17+$0x0], $0xffff  }
0x142: {  	[tilespmem:s4+$0x15000] =	vst v11;
	v11 =	vld.idx.msk [tilespmem:v14+s17+$0x0], $0xffff;
	v14 =	vor.u32 $0x200, v7  }
0x143: {  	v15 =	vld.idx.msk [tilespmem:v15+s17+$0x0], $0xffff;
	[tilespmem:s1+$0x15000] =	vst v12;
	v12 =	vor.u32 $0x200, v6  }
0x144: {  	v18 =	vor.u32 $0x300, v3;
	[tilespmem:s3+$0x180] =	vst v8  }
0x145: {  	p0 =	por !p0, !p0;
	s1 =	simm.s32 $0x1;
	v8 =	vor.u32 $0x300, v2;
	v13 =	vld.idx.msk [tilespmem:v13+s17+$0x0], $0xffff;
	[tilespmem:s3+$0x190] =	vst v16  }
0x146: {  	s1 =	simm.s32 @!p0 $0x0;
	v16 =	vor.u32 $0x280, v4;
	[tilespmem:s3+$0x1A0] =	vst v10;
	v10 =	vld.idx.msk [tilespmem:v17+s17+$0x0], $0xffff  }
0x147: {  	s23 =	sor.u32 $0x380, s9;
	s1 =	sshll.u32 s1, $0x6;
	[tilespmem:s3+$0x1B0] =	vst v11;
	v11 =	vor.u32 $0x280, v5;
	v14 =	vld.idx.msk [tilespmem:v14+s17+$0x0], $0xffff  }
0x148: {  	s1 =	sadd.s32 s1, s2;
	[tilespmem:s23+$0x15000] =	vst v15;
	v15 =	vor.u32 $0x280, v7;
	v12 =	vld.idx.msk [tilespmem:v12+s17+$0x0], $0xffff  }
0x149: {  	[tilespmem:s12+$0x15000] =	vst v9;
	v9 =	vor.u32 $0x280, v6;
	s25 =	sor.u32 $0x200, s1;
	s2 =	sadd.s32 $0x10, s1;
	v17 =	vld.idx.msk [tilespmem:v18+s17+$0x0], $0xffff  }
0x14a: {  	s4 =	sadd.s32 $0x20, s1;
	s6 =	sor.u32 $0x200, s2;
	v8 =	vld.idx.msk [tilespmem:v8+s17+$0x0], $0xffff;
	v18 =	vor.u32 $0x300, v1;
	[tilespmem:s25+$0x15000] =	vst v13  }
0x14b: {  	s11 =	sadd.s32 $0x30, s1;
	s9 =	sor.u32 $0x200, s4;
	v3 =	vor.u32 $0x380, v3;
	v13 =	vld.idx.msk [tilespmem:v16+s17+$0x0], $0xffff;
	[tilespmem:s6+$0x15000] =	vst v10  }
0x14c: {  	s12 =	sor.u32 $0x200, s11;
	v10 =	vor.u32 $0x300, v4;
	v11 =	vld.idx.msk [tilespmem:v11+s17+$0x0], $0xffff;
	[tilespmem:s9+$0x15000] =	vst v14  }
0x14d: {  	[tilespmem:s12+$0x15000] =	vst v12;
	v12 =	vor.u32 $0x300, v5;
	v14 =	vld.idx.msk [tilespmem:v15+s17+$0x0], $0xffff  }
0x14e: {  	[tilespmem:s7+$0x15000] =	vst v17;
	v9 =	vld.idx.msk [tilespmem:v9+s17+$0x0], $0xffff;
	v15 =	vor.u32 $0x300, v7  }
0x14f: {  	s14 =	sor.u32 $0x280, s1;
	v16 =	vor.u32 $0x300, v6;
	[tilespmem:s13+$0x15000] =	vst v8;
	v8 =	vld.idx.msk [tilespmem:v18+s17+$0x0], $0xffff  }
0x150: {  	s15 =	sor.u32 $0x280, s2;
	v2 =	vor.u32 $0x380, v2;
	v3 =	vld.idx.msk [tilespmem:v3+s17+$0x0], $0xffff;
	[tilespmem:s14+$0x15000] =	vst v13  }
0x151: {  	s19 =	sor.u32 $0x280, s4;
	v1 =	vor.u32 $0x380, v1;
	v10 =	vld.idx.msk [tilespmem:v10+s17+$0x0], $0xffff;
	[tilespmem:s15+$0x15000] =	vst v11  }
0x152: {  	s20 =	sor.u32 $0x280, s11;
	v4 =	vor.u32 $0x380, v4;
	v11 =	vld.idx.msk [tilespmem:v12+s17+$0x0], $0xffff;
	[tilespmem:s19+$0x15000] =	vst v14  }
0x153: {  	v5 =	vor.u32 $0x380, v5;
	[tilespmem:s20+$0x15000] =	vst v9;
	v12 =	vld.idx.msk [tilespmem:v15+s17+$0x0], $0xffff  }
0x154: {  	v7 =	vor.u32 $0x380, v7;
	[tilespmem:s8+$0x15000] =	vst v8;
	v8 =	vld.idx.msk [tilespmem:v16+s17+$0x0], $0xffff  }
0x155: {  	s21 =	sor.u32 $0x300, s1;
	v2 =	vld.idx.msk [tilespmem:v2+s17+$0x0], $0xffff;
	[tilespmem:s16+$0x15000] =	vst v3;
	v3 =	vor.u32 $0x380, v6  }
0x156: {  	s22 =	sor.u32 $0x300, s2;
	v1 =	vld.idx.msk [tilespmem:v1+s17+$0x0], $0xffff;
	[tilespmem:s21+$0x15000] =	vst v10  }
0x157: {  	s23 =	sor.u32 $0x300, s4;
	v4 =	vld.idx.msk [tilespmem:v4+s17+$0x0], $0xffff;
	[tilespmem:s22+$0x15000] =	vst v11  }
0x158: {  	s25 =	sor.u32 $0x300, s11;
	[tilespmem:s23+$0x15000] =	vst v12;
	v5 =	vld.idx.msk [tilespmem:v5+s17+$0x0], $0xffff  }
0x159: {  	[tilespmem:s25+$0x15000] =	vst v8;
	v6 =	vld.idx.msk [tilespmem:v7+s17+$0x0], $0xffff  }
0x15a: {  	[tilespmem:s31+$0x15000] =	vst v2;
	v2 =	vld.idx.msk [tilespmem:v3+s17+$0x0], $0xffff  }
0x15b: {  	s6 =	sor.u32 $0x380, s1;
	[tilespmem:s0+$0x15000] =	vst v1  }
0x15c: {  	s7 =	sor.u32 $0x380, s2;
	[tilespmem:s6+$0x15000] =	vst v4  }
0x15d: {  	s8 =	sor.u32 $0x380, s4;
	[tilespmem:s7+$0x15000] =	vst v5  }
0x15e: {  	s9 =	sor.u32 $0x380, s11;
	[tilespmem:s8+$0x15000] =	vst v6  }
0x15f: {  	s11 =	sadd.s32 s30, s10;
	s12 =	simm.s32 $0x15000;
	[tilespmem:s9+$0x15000] =	vst v2  }
0x160: {  	[hbm4b:s11+s5] =	stream.linear.scatter [tilespmem:s12], [sflag:$0x4], $0x4000, $0x38;
	[tilespmem:$0x19200] =	vst v63  }
0x161: {  	p0 =	seq.s32 s26, $0x1F;
	s0 =	rddreg [dreg:$0x9]  }
0x162: {  	s0 =	sadd.s32 @!p0 s28, s0  }
0x163: {  	s0 =	sshll.u32 @!p0 s0, $0xC  }
0x164: {  	s1 =	rddreg [dreg:$0x0];
	s2 =	simm.s32 @!p0 $0x1000;
	s0 =	sand.u32 @!p0 $0x1FFFE000, s0  }
0x165: {  	s13 =	simm.s32 $0x2;
	s0 =	sadd.s32 @!p0 s1, s0;
	s1 =	simm.s32 @!p0 $0x0  }
0x166: {  	[tilespmem:s2], [sflag:$0x1] =	stream.linear.gather @!p0 [hbm4b:s0+s1], $0x8000, $0x38;
	[tilespmem:$0x19200] =	vst v63  }
0x167: {  	_ =	swait.ge [sflag:s13], $0x8000  }
0x168: {  	[sflag:s13] =	ssyncset.done $0x0  }
0x169: {  	s14 =	simm.s32 $0x0;
	s15 =	simm.s32 $0x3;
	[sflag:s13] =	ssyncadd.s32 $0xFFFF8000  }
0x16a: {  	s16 =	sand.u32 $0x40, s14;
	_ =	swait.ge [sflag:s15], $0x4000  }
0x16b: {  	s19 =	sand.u32 $0x780, s14;
	s20 =	sor.u32 $0x30, s16;
	[sflag:s15] =	ssyncset.done $0x0  }
0x16c: {  	s21 =	sor.u32 s20, s19;
	[sflag:s15] =	ssyncadd.s32 $0xFFFFC000  }
0x16d: {  	v1 =	vld [tilespmem:s21+$0x0]  }
0x16e: {  	s22 =	sor.u32 $0x10, s16;
	v2 =	vld [tilespmem:s14+$0x0]  }
0x16f: {  	s23 =	sor.u32 $0x20, s16;
	s25 =	sor.u32 s22, s19  }
0x170: {  	s2 =	sor.u32 s23, s19;
	v3 =	vld [tilespmem:s25+$0x0]  }
0x171: {  	v4 =	vld [tilespmem:s2+$0x0]  }
0x172: {  	v5 =	vshll.u32 v1, $0x3  }
0x173: {  	v6 =	vshll.u32 v2, $0x3;
	v1 =	vand.u32 $0x7F, v1;
	v5 =	vand.u32 $0xFFFFFC00, v5  }
0x174: {  	v2 =	vand.u32 $0x7F, v2;
	v7 =	vand.u32 $0xFFFFFC00, v6;
	v6 =	vor.u32 v1, v5  }
0x175: {  	v1 =	vor.u32 v2, v7;
	v2 =	vshll.u32 v3, $0x3  }
0x176: {  	v5 =	vshll.u32 v4, $0x3;
	v3 =	vand.u32 $0x7F, v3;
	v2 =	vand.u32 $0xFFFFFC00, v2  }
0x177: {  	v7 =	vand.u32 $0xFFFFFC00, v5;
	v5 =	vor.u32 v3, v2;
	v2 =	vand.u32 $0x7F, v4  }
0x178: {  	v4 =	vor.u32 v2, v7  }
0x179: {  	v2 =	vld.idx.msk [tilespmem:v6+s18+$0x0], $0xffff  }
0x17a: {  	v7 =	vor.u32 $0x80, v6;
	v3 =	vld.idx.msk [tilespmem:v1+s18+$0x0], $0xffff  }
0x17b: {  	s0 =	sand.u32 $0x3C00, s14;
	v8 =	vor.u32 $0x80, v1  }
0x17c: {  	s0 =	sadd.s32 $0x11000, s0;
	v9 =	vld.idx.msk [tilespmem:v5+s18+$0x0], $0xffff  }
0x17d: {  	s3 =	sor.u32 s20, s0;
	v10 =	vor.u32 $0x80, v5;
	v11 =	vld.idx.msk [tilespmem:v4+s18+$0x0], $0xffff  }
0x17e: {  	s1 =	sor.u32 s16, s0;
	v12 =	vor.u32 $0x80, v4;
	[tilespmem:s3+$0x0] =	vst v2  }
0x17f: {  	[tilespmem:s1+$0x0] =	vst v3;
	v2 =	vld.idx.msk [tilespmem:v7+s18+$0x0], $0xffff  }
0x180: {  	s4 =	sor.u32 s22, s0;
	v3 =	vld.idx.msk [tilespmem:v8+s18+$0x0], $0xffff;
	v7 =	vor.u32 $0x100, v6  }
0x181: {  	s0 =	sor.u32 s23, s0;
	v8 =	vor.u32 $0x100, v1;
	[tilespmem:s4+$0x0] =	vst v9  }
0x182: {  	v9 =	vld.idx.msk [tilespmem:v10+s18+$0x0], $0xffff;
	[tilespmem:s0+$0x0] =	vst v11  }
0x183: {  	v10 =	vor.u32 $0x100, v5;
	v11 =	vld.idx.msk [tilespmem:v12+s18+$0x0], $0xffff  }
0x184: {  	v12 =	vor.u32 $0x100, v4;
	[tilespmem:s3+$0x80] =	vst v2  }
0x185: {  	[tilespmem:s1+$0x80] =	vst v3;
	v2 =	vld.idx.msk [tilespmem:v7+s18+$0x0], $0xffff  }
0x186: {  	v3 =	vld.idx.msk [tilespmem:v8+s18+$0x0], $0xffff;
	v7 =	vor.u32 $0x180, v6  }
0x187: {  	v8 =	vor.u32 $0x180, v1;
	[tilespmem:s4+$0x80] =	vst v9  }
0x188: {  	v9 =	vld.idx.msk [tilespmem:v10+s18+$0x0], $0xffff;
	[tilespmem:s0+$0x80] =	vst v11  }
0x189: {  	s30 =	simm.s32 $0x40;
	v10 =	vor.u32 $0x180, v5;
	v11 =	vld.idx.msk [tilespmem:v12+s18+$0x0], $0xffff  }
0x18a: {  	s6 =	sand.u32 $0x40, s30;
	v12 =	vld [tilespmem:s30+$0x0];
	[tilespmem:s3+$0x100] =	vst v2  }
0x18b: {  	s15 =	sor.u32 $0x30, s6;
	s14 =	sand.u32 $0x780, s30;
	[tilespmem:s1+$0x100] =	vst v3;
	v2 =	vld.idx.msk [tilespmem:v7+s18+$0x0], $0xffff  }
0x18c: {  	s16 =	sor.u32 s15, s14;
	v3 =	vor.u32 $0x180, v4;
	v7 =	vld.idx.msk [tilespmem:v8+s18+$0x0], $0xffff  }
0x18d: {  	s19 =	sor.u32 $0x10, s6;
	v8 =	vor.u32 $0x200, v6;
	[tilespmem:s4+$0x100] =	vst v9;
	v9 =	vld [tilespmem:s16+$0x0]  }
0x18e: {  	s20 =	sor.u32 $0x20, s6;
	s11 =	sor.u32 s19, s14;
	v10 =	vld.idx.msk [tilespmem:v10+s18+$0x0], $0xffff  }
0x18f: {  	s9 =	sor.u32 s20, s14;
	v14 =	vld [tilespmem:s11+$0x0];
	v13 =	vor.u32 $0x200, v5;
	v15 =	vshll.u32 v12, $0x3  }
0x190: {  	v16 =	vld [tilespmem:s9+$0x0];
	[tilespmem:s0+$0x100] =	vst v11;
	v11 =	vor.u32 $0x200, v1;
	v12 =	vand.u32 $0x7F, v12;
	v15 =	vand.u32 $0xFFFFFC00, v15  }
0x191: {  	p1 =	por $0x0, $0x0;
	s2 =	simm.s32 $0x1;
	v17 =	vld.idx.msk [tilespmem:v3+s18+$0x0], $0xffff;
	[tilespmem:s3+$0x180] =	vst v2;
	v2 =	vor.u32 v12, v15  }
0x192: {  	s2 =	simm.s32 @!p1 $0x0;
	v12 =	vor.u32 $0x200, v4;
	v8 =	vld.idx.msk [tilespmem:v8+s18+$0x0], $0xffff;
	v3 =	vshll.u32 v9, $0x3  }
0x193: {  	s2 =	sshll.u32 s2, $0x6;
	v9 =	vand.u32 $0x7F, v9;
	[tilespmem:s4+$0x180] =	vst v10;
	v3 =	vand.u32 $0xFFFFFC00, v3;
	v10 =	vor.u32 $0x280, v6  }
0x194: {  	v15 =	vor.u32 $0x280, v5;
	[tilespmem:s1+$0x180] =	vst v7;
	s1 =	sadd.s32 $0x0, s2;
	v7 =	vld.idx.msk [tilespmem:v13+s18+$0x0], $0xffff;
	v13 =	vshll.u32 v14, $0x3;
	v3 =	vor.u32 v9, v3  }
0x195: {  	s2 =	sadd.s32 $0x30, s1;
	v9 =	vld.idx.msk [tilespmem:v11+s18+$0x0], $0xffff;
	v11 =	vshll.u32 v16, $0x3;
	v14 =	vand.u32 $0x7F, v14;
	v13 =	vand.u32 $0xFFFFFC00, v13  }
0x196: {  	s21 =	sor.u32 $0x200, s2;
	v11 =	vand.u32 $0xFFFFFC00, v11;
	[tilespmem:s0+$0x180] =	vst v17;
	v18 =	vld.idx.msk [tilespmem:v2+s18+$0x0], $0xffff;
	v22 =	vor.u32 v14, v13;
	v13 =	vand.u32 $0x7F, v16  }
0x197: {  	s4 =	sadd.s32 $0x10, s1;
	v12 =	vld.idx.msk [tilespmem:v12+s18+$0x0], $0xffff;
	v11 =	vor.u32 v13, v11;
	[tilespmem:s21+$0x11000] =	vst v8  }
0x198: {  	s22 =	sor.u32 $0x200, s4;
	v8 =	vor.u32 $0x280, v1;
	v10 =	vld.idx.msk [tilespmem:v10+s18+$0x0], $0xffff  }
0x199: {  	s23 =	sor.u32 $0x200, s1;
	s0 =	simm.s32 $0x200;
	v13 =	vor.u32 $0x280, v4;
	v14 =	vld.idx.msk [tilespmem:v3+s18+$0x0], $0xffff;
	[tilespmem:s22+$0x11000] =	vst v7  }
0x19a: {  	s9 =	sadd.s32 $0x20, s1;
	s13 =	sand.u32 $0x3C00, s0;
	[tilespmem:s23+$0x11000] =	vst v9;
	v9 =	vor.u32 $0x80, v2;
	v7 =	vld.idx.msk [tilespmem:v15+s18+$0x0], $0xffff  }
0x19b: {  	s25 =	sor.u32 $0x200, s9;
	s11 =	sadd.s32 $0x11000, s13;
	v15 =	vor.u32 $0x300, v6;
	v16 =	vld.idx.msk [tilespmem:v22+s18+$0x0], $0xffff  }
0x19c: {  	v17 =	vor.u32 $0x80, v3;
	s16 =	sor.u32 s6, s11;
	[tilespmem:s25+$0x11000] =	vst v12;
	v19 =	vld.idx.msk [tilespmem:v11+s18+$0x0], $0xffff  }
0x19d: {  	s14 =	sor.u32 $0x280, s2;
	v20 =	vor.u32 $0x80, v22;
	[tilespmem:s16+$0x0] =	vst v18;
	v8 =	vld.idx.msk [tilespmem:v8+s18+$0x0], $0xffff  }
0x19e: {  	s12 =	sor.u32 s15, s11;
	v12 =	vor.u32 $0x80, v11;
	v13 =	vld.idx.msk [tilespmem:v13+s18+$0x0], $0xffff;
	[tilespmem:s14+$0x11000] =	vst v10  }
0x19f: {  	s15 =	sor.u32 $0x280, s4;
	v10 =	vor.u32 $0x300, v5;
	[tilespmem:s12+$0x0] =	vst v14;
	v9 =	vld.idx.msk [tilespmem:v9+s18+$0x0], $0xffff  }
0x1a0: {  	s25 =	sor.u32 s19, s11;
	v14 =	vld.idx.msk [tilespmem:v15+s18+$0x0], $0xffff;
	v15 =	vor.u32 $0x300, v4;
	[tilespmem:s15+$0x11000] =	vst v7  }
0x1a1: {  	s7 =	sor.u32 s20, s11;
	v6 =	vor.u32 $0x380, v6;
	v17 =	vld.idx.msk [tilespmem:v17+s18+$0x0], $0xffff;
	[tilespmem:s25+$0x0] =	vst v16  }
0x1a2: {  	v18 =	vor.u32 $0x100, v3;
	s19 =	sor.u32 $0x280, s9;
	v16 =	vld.idx.msk [tilespmem:v20+s18+$0x0], $0xffff;
	[tilespmem:s7+$0x0] =	vst v19  }
0x1a3: {  	v19 =	vor.u32 $0x100, v2;
	[tilespmem:s19+$0x11000] =	vst v13;
	v21 =	vld.idx.msk [tilespmem:v12+s18+$0x0], $0xffff  }
0x1a4: {  	s20 =	sor.u32 $0x300, s2;
	v7 =	vor.u32 $0x100, v22;
	v23 =	vld.idx.msk [tilespmem:v10+s18+$0x0], $0xffff;
	[tilespmem:s16+$0x80] =	vst v9  }
0x1a5: {  	v24 =	vor.u32 $0x100, v11;
	v15 =	vld.idx.msk [tilespmem:v15+s18+$0x0], $0xffff;
	[tilespmem:s20+$0x11000] =	vst v14  }
0x1a6: {  	[tilespmem:s12+$0x80] =	vst v17;
	v17 =	vor.u32 $0x300, v1;
	v25 =	vld.idx.msk [tilespmem:v6+s18+$0x0], $0xffff  }
0x1a7: {  	v26 =	vor.u32 $0x380, v5;
	v20 =	vld.idx.msk [tilespmem:v18+s18+$0x0], $0xffff;
	[tilespmem:s25+$0x80] =	vst v16  }
0x1a8: {  	s22 =	sor.u32 $0x300, s4;
	v5 =	vor.u32 $0x380, v22;
	v18 =	vld.idx.msk [tilespmem:v19+s18+$0x0], $0xffff;
	[tilespmem:s7+$0x80] =	vst v21  }
0x1a9: {  	s21 =	sor.u32 $0x280, s1;
	v12 =	vor.u32 $0x200, v22;
	v9 =	vor.u32 $0x280, v22;
	v19 =	vld.idx.msk [tilespmem:v7+s18+$0x0], $0xffff;
	[tilespmem:s22+$0x11000] =	vst v23;
	v23 =	vor.u32 $0x180, v3  }
0x1aa: {  	s8 =	simm.s32 $0x4;
	s31 =	sor.u32 $0x300, s9;
	[tilespmem:s21+$0x11000] =	vst v8;
	v14 =	vor.u32 $0x180, v22;
	v7 =	vor.u32 $0x300, v22;
	v22 =	vor.u32 $0x180, v2;
	v21 =	vld.idx.msk [tilespmem:v24+s18+$0x0], $0xffff  }
0x1ab: {  	s3 =	sor.u32 $0x380, s9;
	s13 =	sor.u32 $0x380, s4;
	s23 =	sor.u32 $0x380, s2;
	v4 =	vor.u32 $0x380, v4;
	v13 =	vor.u32 $0x180, v11;
	v8 =	vor.u32 $0x280, v11;
	v16 =	vld.idx.msk [tilespmem:v17+s18+$0x0], $0xffff  }
0x1ac: {  	s2 =	sor.u32 $0x380, s1;
	s9 =	simm.s32 $0x80;
	s15 =	sor.u32 $0x300, s1;
	v10 =	vor.u32 $0x200, v11;
	v6 =	vor.u32 $0x300, v11;
	v11 =	vor.u32 $0x380, v11;
	v17 =	vld.idx.msk [tilespmem:v26+s18+$0x0], $0xffff;
	[tilespmem:s23+$0x11000] =	vst v25  }
.LBB2_7:
0x1ad: {  	v24 =	vld [tilespmem:s9+$0x0];
	[tilespmem:s12+$0x100] =	vst v20;
	s30 =	sadd.s32 $0x40, s30  }
0x1ae: {  	s8 =	sadd.s32 $0x4, s8;
	s1 =	sand.u32 $0x40, s30;
	[tilespmem:s16+$0x100] =	vst v18;
	v18 =	vld.idx.msk [tilespmem:v23+s18+$0x0], $0xffff  }
0x1af: {  	s14 =	sand.u32 $0x780, s30;
	p2 =	slt.u32 s8, $0x7C;
	s4 =	sor.u32 $0x30, s1;
	v20 =	vld.idx.msk [tilespmem:v22+s18+$0x0], $0xffff;
	[tilespmem:s25+$0x100] =	vst v19  }
0x1b0: {  	s11 =	sor.u32 $0x10, s1;
	s6 =	sor.u32 $0x20, s1;
	v19 =	vor.u32 $0x200, v3;
	s19 =	sor.u32 s4, s14;
	v14 =	vld.idx.msk [tilespmem:v14+s18+$0x0], $0xffff;
	[tilespmem:s7+$0x100] =	vst v21  }
0x1b1: {  	v22 =	vor.u32 $0x200, v2;
	s20 =	sor.u32 s11, s14;
	s14 =	sor.u32 s6, s14;
	v21 =	vld [tilespmem:s19+$0x0];
	[tilespmem:s31+$0x11000] =	vst v15  }
0x1b2: {  	v15 =	vld [tilespmem:s20+$0x0];
	[tilespmem:s15+$0x11000] =	vst v16  }
0x1b3: {  	v16 =	vshll.u32 v24, $0x3;
	v23 =	vld [tilespmem:s14+$0x0];
	[tilespmem:s13+$0x11000] =	vst v17  }
0x1b4: {  	v17 =	vand.u32 $0x7F, v24;
	v16 =	vand.u32 $0xFFFFFC00, v16;
	v13 =	vld.idx.msk [tilespmem:v13+s18+$0x0], $0xffff;
	[tilespmem:s12+$0x180] =	vst v18;
	v18 =	vor.u32 $0x380, v1;
	v1 =	vmovc v2  }
0x1b5: {  	p1 =	por !p1, !p1;
	v2 =	vor.u32 v17, v16;
	s12 =	simm.s32 $0x1;
	[tilespmem:s16+$0x180] =	vst v20;
	v16 =	vld.idx.msk [tilespmem:v19+s18+$0x0], $0xffff  }
0x1b6: {  	s12 =	simm.s32 @!p1 $0x0;
	v17 =	vshll.u32 v21, $0x3;
	v19 =	vld.idx.msk [tilespmem:v22+s18+$0x0], $0xffff;
	[tilespmem:s25+$0x180] =	vst v14  }
0x1b7: {  	v14 =	vand.u32 $0x7F, v21;
	s12 =	sshll.u32 s12, $0x6;
	v17 =	vand.u32 $0xFFFFFC00, v17;
	v20 =	vld.idx.msk [tilespmem:v12+s18+$0x0], $0xffff;
	v12 =	vor.u32 $0x280, v3  }
0x1b8: {  	v21 =	vshll.u32 v15, $0x3;
	s12 =	sadd.s32 s12, s0;
	v22 =	vshll.u32 v23, $0x3;
	v17 =	vor.u32 v14, v17;
	v24 =	vld.idx.msk [tilespmem:v4+s18+$0x0], $0xffff;
	v4 =	vmovc v11  }
0x1b9: {  	v11 =	vand.u32 $0x7F, v15;
	v14 =	vand.u32 $0xFFFFFC00, v21;
	s13 =	sadd.s32 $0x10, s12;
	s16 =	sadd.s32 $0x20, s12;
	s14 =	sadd.s32 $0x30, s12;
	v15 =	vand.u32 $0xFFFFFC00, v22;
	v18 =	vld.idx.msk [tilespmem:v18+s18+$0x0], $0xffff  }
0x1ba: {  	v11 =	vor.u32 v11, v14;
	v14 =	vand.u32 $0x7F, v23;
	v22 =	vor.u32 $0x280, v1;
	s25 =	sor.u32 $0x200, s13;
	s15 =	sor.u32 $0x200, s14;
	v21 =	vld.idx.msk [tilespmem:v2+s18+$0x0], $0xffff;
	[tilespmem:s7+$0x180] =	vst v13;
	s7 =	sor.u32 $0x200, s16  }
0x1bb: {  	s20 =	sor.u32 $0x200, s12;
	s22 =	sor.u32 $0x280, s13;
	s19 =	sor.u32 $0x280, s16;
	v23 =	vor.u32 $0x80, v11;
	v25 =	vor.u32 $0x100, v11;
	v15 =	vor.u32 v14, v15;
	v26 =	vld.idx.msk [tilespmem:v10+s18+$0x0], $0xffff;
	[tilespmem:s15+$0x11000] =	vst v16  }
0x1bc: {  	s21 =	sor.u32 $0x280, s12;
	s31 =	sor.u32 $0x300, s16;
	v14 =	vor.u32 $0x180, v11;
	v16 =	vor.u32 $0x80, v15;
	v27 =	vor.u32 $0x100, v15;
	[tilespmem:s20+$0x11000] =	vst v19;
	s20 =	sor.u32 $0x300, s13;
	v19 =	vld.idx.msk [tilespmem:v12+s18+$0x0], $0xffff  }
0x1bd: {  	s16 =	sor.u32 $0x380, s16;
	v13 =	vor.u32 $0x180, v15;
	v10 =	vor.u32 $0x200, v15;
	s15 =	sor.u32 $0x300, s12;
	v12 =	vor.u32 $0x200, v11;
	s13 =	sor.u32 $0x380, s13;
	v28 =	vld.idx.msk [tilespmem:v17+s18+$0x0], $0xffff;
	[tilespmem:s25+$0x11000] =	vst v20  }
0x1be: {  	v30 =	vor.u32 $0x300, v3;
	s12 =	sor.u32 $0x380, s12;
	v20 =	vor.u32 $0x280, v15;
	v29 =	vld.idx.msk [tilespmem:v9+s18+$0x0], $0xffff;
	v9 =	vor.u32 $0x280, v11;
	[tilespmem:s3+$0x11000] =	vst v24;
	s3 =	smov.u32 s16  }
0x1bf: {  	s0 =	sadd.s32 $0x200, s0;
	v33 =	vor.u32 $0x80, v17;
	v31 =	vor.u32 $0x300, v11;
	v32 =	vor.u32 $0x300, v15;
	v24 =	vld.idx.msk [tilespmem:v11+s18+$0x0], $0xffff;
	[tilespmem:s2+$0x11000] =	vst v18;
	s2 =	smov.u32 s12  }
0x1c0: {  	v34 =	vor.u32 $0x380, v11;
	s12 =	sand.u32 $0x3C00, s0;
	v18 =	vor.u32 $0x80, v2;
	v11 =	vor.u32 $0x380, v15;
	v35 =	vld.idx.msk [tilespmem:v15+s18+$0x0], $0xffff  }
0x1c1: {  	s23 =	sadd.s32 $0x11000, s12;
	v36 =	vld.idx.msk [tilespmem:v22+s18+$0x0], $0xffff;
	[tilespmem:s7+$0x11000] =	vst v26;
	s7 =	sor.u32 $0x280, s14  }
0x1c2: {  	s16 =	sor.u32 s1, s23;
	s25 =	sor.u32 s11, s23;
	s12 =	sor.u32 s4, s23;
	v15 =	vld.idx.msk [tilespmem:v8+s18+$0x0], $0xffff;
	[tilespmem:s7+$0x11000] =	vst v19;
	v8 =	vmov v20  }
0x1c3: {  	s7 =	sor.u32 s6, s23;
	[tilespmem:s12+$0x0] =	vst v28;
	v19 =	vld.idx.msk [tilespmem:v30+s18+$0x0], $0xffff  }
0x1c4: {  	[tilespmem:s16+$0x0] =	vst v21;
	v20 =	vld.idx.msk [tilespmem:v33+s18+$0x0], $0xffff  }
0x1c5: {  	v21 =	vor.u32 $0x380, v3;
	v3 =	vmov v17;
	v18 =	vld.idx.msk [tilespmem:v18+s18+$0x0], $0xffff;
	[tilespmem:s25+$0x0] =	vst v24  }
0x1c6: {  	v22 =	vor.u32 $0x100, v3;
	v17 =	vld.idx.msk [tilespmem:v23+s18+$0x0], $0xffff;
	[tilespmem:s7+$0x0] =	vst v35  }
0x1c7: {  	v23 =	vor.u32 $0x100, v2;
	v16 =	vld.idx.msk [tilespmem:v16+s18+$0x0], $0xffff;
	[tilespmem:s22+$0x11000] =	vst v29  }
0x1c8: {  	s1 =	sor.u32 $0x300, s14;
	v24 =	vld.idx.msk [tilespmem:v7+s18+$0x0], $0xffff;
	[tilespmem:s19+$0x11000] =	vst v15;
	v7 =	vmov v31  }
0x1c9: {  	v15 =	vld.idx.msk [tilespmem:v6+s18+$0x0], $0xffff;
	[tilespmem:s1+$0x11000] =	vst v19;
	v6 =	vmov v32  }
0x1ca: {  	v26 =	vor.u32 $0x300, v1;
	[tilespmem:s12+$0x80] =	vst v20;
	v28 =	vld.idx.msk [tilespmem:v21+s18+$0x0], $0xffff  }
0x1cb: {  	[tilespmem:s16+$0x80] =	vst v18;
	v20 =	vld.idx.msk [tilespmem:v22+s18+$0x0], $0xffff  }
.Ltmp4:
0x1cc: {  	v18 =	vld.idx.msk [tilespmem:v23+s18+$0x0], $0xffff;
	[tilespmem:s25+$0x80] =	vst v17;
	(pc) =	sbr.rel @p2 .LBB2_7-.Ltmp4, $4  }
0x1cd: {  	v23 =	vor.u32 $0x180, v3;
	v19 =	vld.idx.msk [tilespmem:v25+s18+$0x0], $0xffff;
	[tilespmem:s7+$0x80] =	vst v16  }
0x1ce: {  	v22 =	vor.u32 $0x180, v2;
	v21 =	vld.idx.msk [tilespmem:v27+s18+$0x0], $0xffff;
	[tilespmem:s21+$0x11000] =	vst v36  }
0x1cf: {  	s1 =	sor.u32 $0x380, s14;
	v16 =	vld.idx.msk [tilespmem:v26+s18+$0x0], $0xffff;
	[tilespmem:s20+$0x11000] =	vst v24  }
0x1d0: {  	s9 =	sadd.s32 $0x40, s9;
	v17 =	vld.idx.msk [tilespmem:v5+s18+$0x0], $0xffff;
	[tilespmem:s1+$0x11000] =	vst v28;
	v5 =	vmov v34  }
0x1d1: {  	_ =	sdelay $0x2  }
0x1d2: {  	[tilespmem:s12+$0x100] =	vst v20  }
0x1d3: {  	v20 =	vld.idx.msk [tilespmem:v23+s18+$0x0], $0xffff;
	[tilespmem:s25+$0x100] =	vst v19  }
0x1d4: {  	v19 =	vor.u32 $0x200, v3;
	v14 =	vld.idx.msk [tilespmem:v14+s18+$0x0], $0xffff;
	[tilespmem:s7+$0x100] =	vst v21  }
0x1d5: {  	v13 =	vld.idx.msk [tilespmem:v13+s18+$0x0], $0xffff;
	_ =	sdelay $0x1  }
0x1d6: {  	[tilespmem:s16+$0x100] =	vst v18  }
0x1d7: {  	p1 =	por !p1, !p1;
	s1 =	simm.s32 $0x1;
	v18 =	vld.idx.msk [tilespmem:v22+s18+$0x0], $0xffff;
	[tilespmem:s12+$0x180] =	vst v20  }
0x1d8: {  	v61 =	vor.u32 $0x200, v2;
	s1 =	simm.s32 @!p1 $0x0;
	v19 =	vld.idx.msk [tilespmem:v19+s18+$0x0], $0xffff;
	[tilespmem:s25+$0x180] =	vst v14  }
0x1d9: {  	s1 =	sshll.u32 s1, $0x6;
	v14 =	vor.u32 $0x280, v3;
	v12 =	vld.idx.msk [tilespmem:v12+s18+$0x0], $0xffff;
	[tilespmem:s7+$0x180] =	vst v13  }
0x1da: {  	s0 =	sadd.s32 s1, s0;
	v10 =	vld.idx.msk [tilespmem:v10+s18+$0x0], $0xffff  }
0x1db: {  	s1 =	sadd.s32 $0x30, s0  }
0x1dc: {  	s4 =	sadd.s32 $0x10, s0;
	s6 =	sor.u32 $0x200, s1;
	[tilespmem:s16+$0x180] =	vst v18  }
0x1dd: {  	s11 =	sadd.s32 $0x20, s0;
	s8 =	sor.u32 $0x200, s4;
	v13 =	vld.idx.msk [tilespmem:v61+s18+$0x0], $0xffff;
	[tilespmem:s6+$0x11000] =	vst v19  }
0x1de: {  	v18 =	vor.u32 $0x280, v2;
	s12 =	sor.u32 $0x200, s11;
	v14 =	vld.idx.msk [tilespmem:v14+s18+$0x0], $0xffff;
	[tilespmem:s8+$0x11000] =	vst v12  }
0x1df: {  	v12 =	vor.u32 $0x300, v3;
	v9 =	vld.idx.msk [tilespmem:v9+s18+$0x0], $0xffff;
	[tilespmem:s12+$0x11000] =	vst v10  }
0x1e0: {  	v8 =	vld.idx.msk [tilespmem:v8+s18+$0x0], $0xffff  }
0x1e1: {  	[tilespmem:s31+$0x11000] =	vst v15;
	s14 =	sor.u32 $0x200, s0  }
0x1e2: {  	s16 =	sor.u32 $0x280, s1;
	[tilespmem:s14+$0x11000] =	vst v13  }
0x1e3: {  	v1 =	vor.u32 $0x380, v1;
	s19 =	sor.u32 $0x280, s4;
	v10 =	vld.idx.msk [tilespmem:v18+s18+$0x0], $0xffff;
	[tilespmem:s16+$0x11000] =	vst v14  }
0x1e4: {  	s20 =	sor.u32 $0x280, s11;
	v13 =	vor.u32 $0x300, v2;
	v12 =	vld.idx.msk [tilespmem:v12+s18+$0x0], $0xffff;
	[tilespmem:s19+$0x11000] =	vst v9  }
0x1e5: {  	v3 =	vor.u32 $0x380, v3;
	v7 =	vld.idx.msk [tilespmem:v7+s18+$0x0], $0xffff;
	[tilespmem:s20+$0x11000] =	vst v8  }
0x1e6: {  	[tilespmem:s15+$0x11000] =	vst v16;
	v6 =	vld.idx.msk [tilespmem:v6+s18+$0x0], $0xffff  }
0x1e7: {  	v4 =	vld.idx.msk [tilespmem:v4+s18+$0x0], $0xffff;
	s21 =	sor.u32 $0x280, s0;
	[tilespmem:s13+$0x11000] =	vst v17  }
0x1e8: {  	s22 =	sor.u32 $0x300, s1;
	v1 =	vld.idx.msk [tilespmem:v1+s18+$0x0], $0xffff;
	[tilespmem:s21+$0x11000] =	vst v10  }
0x1e9: {  	s23 =	sor.u32 $0x300, s4;
	v8 =	vld.idx.msk [tilespmem:v13+s18+$0x0], $0xffff;
	[tilespmem:s22+$0x11000] =	vst v12  }
0x1ea: {  	s25 =	sor.u32 $0x300, s11;
	v2 =	vor.u32 $0x380, v2;
	v3 =	vld.idx.msk [tilespmem:v3+s18+$0x0], $0xffff;
	[tilespmem:s23+$0x11000] =	vst v7  }
0x1eb: {  	v5 =	vld.idx.msk [tilespmem:v5+s18+$0x0], $0xffff;
	[tilespmem:s25+$0x11000] =	vst v6  }
0x1ec: {  	[tilespmem:s3+$0x11000] =	vst v4;
	v6 =	vld.idx.msk [tilespmem:v11+s18+$0x0], $0xffff  }
0x1ed: {  	s31 =	sor.u32 $0x300, s0;
	[tilespmem:s2+$0x11000] =	vst v1  }
0x1ee: {  	s1 =	sor.u32 $0x380, s1;
	[tilespmem:s31+$0x11000] =	vst v8  }
0x1ef: {  	s4 =	sor.u32 $0x380, s4;
	v2 =	vld.idx.msk [tilespmem:v2+s18+$0x0], $0xffff;
	[tilespmem:s1+$0x11000] =	vst v3  }
0x1f0: {  	s6 =	sor.u32 $0x380, s11;
	[tilespmem:s4+$0x11000] =	vst v5  }
0x1f1: {  	[tilespmem:s6+$0x11000] =	vst v6  }
0x1f2: {  	s1 =	rddreg [dreg:$0xc]  }
0x1f3: {  	s9 =	simm.s32 $0x11000;
	s0 =	sor.u32 $0x380, s0;
	s29 =	sadd.s32 s1, s29  }
0x1f4: {  	s11 =	simm.s32 $0x4;
	s8 =	simm.s32 $0x0;
	[tilespmem:s0+$0x11000] =	vst v2;
	s7 =	sadd.s32 s24, s29  }
0x1f5: {  	[hbm4b:s7+s8] =	stream.linear.scatter [tilespmem:s9], [sflag:$0x3], $0x4000, $0x38;
	[tilespmem:$0x19200] =	vst v63  }
0x1f6: {  	_ =	swait.ge [sflag:s11], $0x4000  }
0x1f7: {  	[sflag:s11] =	ssyncset.done $0x0  }
0x1f8: {  	s12 =	sand.u32 $0x7C0, s8;
	[sflag:s11] =	ssyncadd.s32 $0xFFFFC000  }
0x1f9: {  	v1 =	vld [tilespmem:s12+$0x800];
	_ =	sdelay $0x4  }
0x1fa: {  	s13 =	simm.s32 $0x830;
	v2 =	vshll.u32 v1, $0x3  }
0x1fb: {  	v3 =	vld [tilespmem:s13+$0xFFFFFFE0];
	v1 =	vand.u32 $0x7F, v1;
	v2 =	vand.u32 $0xFFFFFC00, v2  }
0x1fc: {  	v9 =	vor.u32 v1, v2  }
0x1fd: {  	v1 =	vld [tilespmem:s13+$0xFFFFFFF0]  }
0x1fe: {  	v4 =	vld [tilespmem:s13+$0x0];
	_ =	sdelay $0x1  }
0x1ff: {  	v2 =	vshll.u32 v3, $0x3  }
0x200: {  	v3 =	vand.u32 $0x7F, v3;
	v2 =	vand.u32 $0xFFFFFC00, v2;
	v5 =	vld.idx.msk [tilespmem:v9+s18+$0x0], $0xffff  }
0x201: {  	v6 =	vor.u32 $0x80, v9;
	v3 =	vor.u32 v3, v2;
	v2 =	vshll.u32 v1, $0x3  }
0x202: {  	v7 =	vshll.u32 v4, $0x3;
	v1 =	vand.u32 $0x7F, v1;
	v2 =	vand.u32 $0xFFFFFC00, v2  }
0x203: {  	s14 =	sand.u32 $0x40, s8;
	s1 =	sand.u32 $0x3C00, s8;
	v2 =	vor.u32 v1, v2;
	v1 =	vand.u32 $0x7F, v4;
	v4 =	vand.u32 $0xFFFFFC00, v7  }
0x204: {  	s0 =	sor.u32 s14, s1;
	v1 =	vor.u32 v1, v4  }
0x205: {  	[tilespmem:s0+$0x15000] =	vst v5  }
0x206: {  	v4 =	vld.idx.msk [tilespmem:v6+s18+$0x0], $0xffff  }
0x207: {  	v5 =	vor.u32 $0x100, v9;
	v6 =	vld.idx.msk [tilespmem:v3+s18+$0x0], $0xffff  }
0x208: {  	v8 =	vor.u32 $0x80, v3;
	v7 =	vld.idx.msk [tilespmem:v2+s18+$0x0], $0xffff  }
0x209: {  	v11 =	vor.u32 $0x80, v2;
	v10 =	vld.idx.msk [tilespmem:v1+s18+$0x0], $0xffff  }
0x20a: {  	v12 =	vor.u32 $0x80, v1;
	s0 =	sadd.s32 $0x15000, s0  }
0x20b: {  	[tilespmem:s0+$0x80] =	vst v4  }
0x20c: {  	[tilespmem:s0+$0x10] =	vst v6;
	v4 =	vld.idx.msk [tilespmem:v5+s18+$0x0], $0xffff  }
0x20d: {  	v6 =	vor.u32 $0x180, v9;
	v8 =	vld.idx.msk [tilespmem:v8+s18+$0x0], $0xffff;
	[tilespmem:s0+$0x20] =	vst v7  }
0x20e: {  	v7 =	vld.idx.msk [tilespmem:v11+s18+$0x0], $0xffff;
	[tilespmem:s0+$0x30] =	vst v10;
	v10 =	vor.u32 $0x100, v3  }
0x20f: {  	s15 =	simm.s32 $0x870;
	v11 =	vld.idx.msk [tilespmem:v12+s18+$0x0], $0xffff  }
0x210: {  	v13 =	vld [tilespmem:s15+$0xFFFFFFF0];
	v12 =	vor.u32 $0x100, v2  }
0x211: {  	v5 =	vld [tilespmem:s15+$0xFFFFFFE0];
	[tilespmem:s0+$0x100] =	vst v4;
	v4 =	vor.u32 $0x100, v1  }
0x212: {  	s3 =	simm.s32 $0x40;
	[tilespmem:s0+$0x90] =	vst v8;
	v6 =	vld.idx.msk [tilespmem:v6+s18+$0x0], $0xffff  }
0x213: {  	s16 =	sand.u32 $0x7C0, s3;
	v8 =	vor.u32 $0x200, v9;
	v10 =	vld.idx.msk [tilespmem:v10+s18+$0x0], $0xffff;
	[tilespmem:s0+$0xA0] =	vst v7  }
0x214: {  	v14 =	vld [tilespmem:s16+$0x800];
	[tilespmem:s0+$0xB0] =	vst v11;
	v11 =	vor.u32 $0x180, v3  }
0x215: {  	v7 =	vld.idx.msk [tilespmem:v12+s18+$0x0], $0xffff  }
0x216: {  	v12 =	vor.u32 $0x180, v2;
	v15 =	vld.idx.msk [tilespmem:v4+s18+$0x0], $0xffff;
	v4 =	vshll.u32 v5, $0x3  }
0x217: {  	v16 =	vld [tilespmem:s15+$0x0];
	v5 =	vand.u32 $0x7F, v5;
	[tilespmem:s0+$0x180] =	vst v6;
	v6 =	vor.u32 $0x180, v1;
	v4 =	vand.u32 $0xFFFFFC00, v4  }
0x218: {  	p1 =	por $0x0, $0x0;
	s1 =	simm.s32 $0x1;
	[tilespmem:s0+$0x110] =	vst v10;
	v17 =	vld.idx.msk [tilespmem:v8+s18+$0x0], $0xffff;
	v5 =	vor.u32 v5, v4  }
0x219: {  	s1 =	simm.s32 @!p1 $0x0;
	v10 =	vor.u32 $0x280, v9;
	v8 =	vshll.u32 v14, $0x3;
	v11 =	vld.idx.msk [tilespmem:v11+s18+$0x0], $0xffff  }
0x21a: {  	s1 =	sshll.u32 s1, $0x6;
	v4 =	vand.u32 $0x7F, v14;
	[tilespmem:s0+$0x120] =	vst v7;
	v14 =	vor.u32 $0x200, v3;
	v8 =	vand.u32 $0xFFFFFC00, v8  }
0x21b: {  	s9 =	sadd.s32 $0x0, s1;
	v12 =	vld.idx.msk [tilespmem:v12+s18+$0x0], $0xffff;
	v4 =	vor.u32 v4, v8;
	[tilespmem:s0+$0x130] =	vst v15  }
0x21c: {  	s1 =	sor.u32 $0x200, s9;
	v7 =	vshll.u32 v13, $0x3;
	v15 =	vld.idx.msk [tilespmem:v6+s18+$0x0], $0xffff;
	v6 =	vand.u32 $0x7F, v13;
	v13 =	vor.u32 $0x200, v2  }
0x21d: {  	v18 =	vshll.u32 v16, $0x3;
	v7 =	vand.u32 $0xFFFFFC00, v7;
	v8 =	vld.idx.msk [tilespmem:v5+s18+$0x0], $0xffff;
	[tilespmem:s1+$0x15000] =	vst v17;
	v17 =	vor.u32 $0x200, v1  }
0x21e: {  	v7 =	vor.u32 v6, v7;
	v6 =	vand.u32 $0x7F, v16;
	v16 =	vand.u32 $0xFFFFFC00, v18;
	[tilespmem:s0+$0x190] =	vst v11;
	v18 =	vld.idx.msk [tilespmem:v10+s18+$0x0], $0xffff  }
0x21f: {  	v6 =	vor.u32 v6, v16;
	v19 =	vld.idx.msk [tilespmem:v14+s18+$0x0], $0xffff  }
0x220: {  	[tilespmem:s0+$0x1A0] =	vst v12;
	v12 =	vor.u32 $0x300, v9;
	v11 =	vld.idx.msk [tilespmem:v4+s18+$0x0], $0xffff  }
0x221: {  	v16 =	vor.u32 $0x80, v4;
	v20 =	vld.idx.msk [tilespmem:v13+s18+$0x0], $0xffff;
	[tilespmem:s0+$0x1B0] =	vst v15  }
0x222: {  	s2 =	simm.s32 $0x200;
	s19 =	sand.u32 $0x40, s3;
	v15 =	vor.u32 $0x280, v3;
	v17 =	vld.idx.msk [tilespmem:v17+s18+$0x0], $0xffff  }
0x223: {  	s20 =	sand.u32 $0x3C00, s2;
	s23 =	smov.u32 s24;
	s21 =	sor.u32 $0x280, s9;
	v62 =	vor.u32 $0x280, v2;
	v10 =	vld.idx.msk [tilespmem:v7+s18+$0x0], $0xffff  }
0x224: {  	s6 =	sor.u32 s19, s20;
	s22 =	sadd.s32 $0x10, s9;
	s11 =	sadd.s32 $0x20, s9;
	v63 =	vor.u32 $0x280, v1;
	v13 =	vld.idx.msk [tilespmem:v6+s18+$0x0], $0xffff;
	[tilespmem:s21+$0x15000] =	vst v18  }
0x225: {  	s14 =	sadd.s32 $0x30, s9;
	s24 =	sor.u32 $0x200, s22;
	s25 =	sor.u32 $0x200, s11;
	[tilespmem:s6+$0x15000] =	vst v11;
	v14 =	vld.idx.msk [tilespmem:v12+s18+$0x0], $0xffff  }
0x226: {  	s4 =	sor.u32 $0x280, s22;
	s31 =	sor.u32 $0x200, s14;
	s7 =	sor.u32 $0x300, s22;
	[tilespmem:s24+$0x15000] =	vst v19;
	v16 =	vld.idx.msk [tilespmem:v16+s18+$0x0], $0xffff  }
0x227: {  	s12 =	sor.u32 $0x280, s14;
	s16 =	sor.u32 $0x380, s22;
	s30 =	sor.u32 $0x380, s11;
	v11 =	vld.idx.msk [tilespmem:v15+s18+$0x0], $0xffff;
	[tilespmem:s25+$0x15000] =	vst v20;
	v15 =	vor.u32 $0x380, v9  }
0x228: {  	s8 =	sor.u32 $0x300, s14;
	s13 =	sor.u32 $0x300, s11;
	s15 =	simm.s32 $0x4;
	v12 =	vld.idx.msk [tilespmem:v62+s18+$0x0], $0xffff;
	[tilespmem:s31+$0x15000] =	vst v17;
	v17 =	vor.u32 $0x100, v4  }
0x229: {  	s1 =	sor.u32 $0x280, s11;
	s0 =	sor.u32 $0x380, s14;
	v18 =	vor.u32 $0x80, v5;
	s25 =	simm.s32 $0x8B0;
	v9 =	vld.idx.msk [tilespmem:v63+s18+$0x0], $0xffff  }
.LBB2_9:
0x22a: {  	v19 =	vld [tilespmem:s25+$0xFFFFFFE0];
	v20 =	vor.u32 $0x80, v7;
	s11 =	sor.u32 $0x300, s9  }
0x22b: {  	s6 =	sadd.s32 $0x15000, s6;
	v22 =	vor.u32 $0x80, v6;
	v21 =	vld [tilespmem:s25+$0xFFFFFFF0];
	[tilespmem:s11+$0x15000] =	vst v14  }
0x22c: {  	[tilespmem:s6+$0x80] =	vst v16;
	v14 =	vld.idx.msk [tilespmem:v15+s18+$0x0], $0xffff;
	v15 =	vor.u32 $0x300, v3  }
0x22d: {  	v16 =	vld.idx.msk [tilespmem:v17+s18+$0x0], $0xffff;
	[tilespmem:s6+$0x10] =	vst v8;
	v8 =	vor.u32 $0x300, v2  }
0x22e: {  	v17 =	vld.idx.msk [tilespmem:v18+s18+$0x0], $0xffff;
	[tilespmem:s6+$0x20] =	vst v10  }
0x22f: {  	v10 =	vor.u32 $0x180, v4;
	v18 =	vld.idx.msk [tilespmem:v20+s18+$0x0], $0xffff;
	[tilespmem:s6+$0x30] =	vst v13  }
0x230: {  	v13 =	vor.u32 $0x100, v5;
	v20 =	vld.idx.msk [tilespmem:v22+s18+$0x0], $0xffff;
	[tilespmem:s4+$0x15000] =	vst v11  }
0x231: {  	v11 =	vor.u32 $0x100, v7;
	s4 =	sor.u32 $0x380, s9;
	v15 =	vld.idx.msk [tilespmem:v15+s18+$0x0], $0xffff;
	[tilespmem:s1+$0x15000] =	vst v12  }
0x232: {  	[tilespmem:s4+$0x15000] =	vst v14;
	v8 =	vld.idx.msk [tilespmem:v8+s18+$0x0], $0xffff  }
0x233: {  	v14 =	vor.u32 $0x100, v6;
	v12 =	vld [tilespmem:s25+$0x0];
	[tilespmem:s6+$0x100] =	vst v16  }
0x234: {  	v16 =	vor.u32 $0x300, v1;
	v10 =	vld.idx.msk [tilespmem:v10+s18+$0x0], $0xffff;
	[tilespmem:s6+$0x90] =	vst v17  }
0x235: {  	s3 =	sadd.s32 $0x40, s3;
	v17 =	vor.u32 $0x380, v3;
	v3 =	vmov v5;
	v13 =	vld.idx.msk [tilespmem:v13+s18+$0x0], $0xffff;
	[tilespmem:s6+$0xA0] =	vst v18  }
0x236: {  	s15 =	sadd.s32 $0x4, s15;
	s1 =	sand.u32 $0x7C0, s3;
	v5 =	vor.u32 $0x200, v4;
	v11 =	vld.idx.msk [tilespmem:v11+s18+$0x0], $0xffff;
	[tilespmem:s6+$0xB0] =	vst v20  }
0x237: {  	p2 =	slt.u32 s15, $0x7C;
	v20 =	vor.u32 $0x180, v3;
	v18 =	vld [tilespmem:s1+$0x800];
	[tilespmem:s12+$0x15000] =	vst v9  }
0x238: {  	v9 =	vor.u32 $0x180, v7;
	v14 =	vld.idx.msk [tilespmem:v14+s18+$0x0], $0xffff;
	[tilespmem:s7+$0x15000] =	vst v15  }
0x239: {  	[tilespmem:s13+$0x15000] =	vst v8;
	v8 =	vor.u32 $0x380, v2;
	v15 =	vld.idx.msk [tilespmem:v16+s18+$0x0], $0xffff;
	v2 =	vmov v7  }
0x23a: {  	v7 =	vshll.u32 v19, $0x3;
	[tilespmem:s6+$0x180] =	vst v10;
	v10 =	vor.u32 $0x180, v6;
	v16 =	vld.idx.msk [tilespmem:v17+s18+$0x0], $0xffff  }
0x23b: {  	v17 =	vand.u32 $0x7F, v19;
	v7 =	vand.u32 $0xFFFFFC00, v7;
	v19 =	vld.idx.msk [tilespmem:v5+s18+$0x0], $0xffff;
	[tilespmem:s6+$0x110] =	vst v13;
	v13 =	vor.u32 $0x380, v1;
	v1 =	vmovc v6  }
0x23c: {  	p1 =	por !p1, !p1;
	s1 =	simm.s32 $0x1;
	v5 =	vor.u32 v17, v7;
	v6 =	vshll.u32 v18, $0x3;
	v17 =	vld.idx.msk [tilespmem:v20+s18+$0x0], $0xffff;
	[tilespmem:s6+$0x120] =	vst v11  }
0x23d: {  	s1 =	simm.s32 @!p1 $0x0;
	v7 =	vand.u32 $0x7F, v18;
	v11 =	vor.u32 $0x280, v4;
	v6 =	vand.u32 $0xFFFFFC00, v6;
	v9 =	vld.idx.msk [tilespmem:v9+s18+$0x0], $0xffff  }
0x23e: {  	s1 =	sshll.u32 s1, $0x6;
	v18 =	vor.u32 v7, v6;
	[tilespmem:s6+$0x130] =	vst v14;
	v14 =	vld.idx.msk [tilespmem:v8+s18+$0x0], $0xffff  }
0x23f: {  	s9 =	sadd.s32 s1, s2;
	v20 =	vor.u32 $0x200, v3;
	v10 =	vld.idx.msk [tilespmem:v10+s18+$0x0], $0xffff;
	[tilespmem:s8+$0x15000] =	vst v15  }
0x240: {  	s1 =	sor.u32 $0x200, s9;
	s11 =	sadd.s32 $0x20, s9;
	v6 =	vand.u32 $0x7F, v21;
	v7 =	vshll.u32 v21, $0x3;
	s8 =	sadd.s32 $0x10, s9;
	v15 =	vor.u32 $0x200, v2;
	[tilespmem:s16+$0x15000] =	vst v16;
	v13 =	vld.idx.msk [tilespmem:v13+s18+$0x0], $0xffff  }
0x241: {  	s20 =	sadd.s32 $0x30, s9;
	s19 =	sor.u32 $0x200, s11;
	v7 =	vand.u32 $0xFFFFFC00, v7;
	v16 =	vshll.u32 v12, $0x3;
	s14 =	sor.u32 $0x200, s8;
	v8 =	vld.idx.msk [tilespmem:v5+s18+$0x0], $0xffff;
	[tilespmem:s1+$0x15000] =	vst v19;
	v19 =	vor.u32 $0x200, v1  }
0x242: {  	s21 =	sor.u32 $0x200, s20;
	v7 =	vor.u32 v6, v7;
	v6 =	vand.u32 $0x7F, v12;
	s4 =	sor.u32 $0x280, s8;
	v12 =	vand.u32 $0xFFFFFC00, v16;
	s1 =	sor.u32 $0x280, s11;
	v11 =	vld.idx.msk [tilespmem:v11+s18+$0x0], $0xffff;
	[tilespmem:s6+$0x190] =	vst v17  }
0x243: {  	s13 =	sor.u32 $0x300, s11;
	s12 =	sor.u32 $0x280, s20;
	s7 =	sor.u32 $0x300, s8;
	v6 =	vor.u32 v6, v12;
	v16 =	vld.idx.msk [tilespmem:v18+s18+$0x0], $0xffff;
	[tilespmem:s6+$0x1A0] =	vst v9  }
0x244: {  	s16 =	sor.u32 $0x380, s8;
	s8 =	sor.u32 $0x300, s20;
	v9 =	vor.u32 $0x300, v4;
	v12 =	vld.idx.msk [tilespmem:v20+s18+$0x0], $0xffff;
	[tilespmem:s30+$0x15000] =	vst v14;
	s30 =	sor.u32 $0x380, s11  }
0x245: {  	v17 =	vor.u32 $0x80, v18;
	v20 =	vld.idx.msk [tilespmem:v15+s18+$0x0], $0xffff;
	[tilespmem:s6+$0x1B0] =	vst v10;
	s6 =	sor.u32 $0x380, s20  }
0x246: {  	s2 =	sadd.s32 $0x200, s2;
	v21 =	vor.u32 $0x280, v3;
	v19 =	vld.idx.msk [tilespmem:v19+s18+$0x0], $0xffff;
	[tilespmem:s0+$0x15000] =	vst v13;
	s0 =	smov.u32 s6  }
0x247: {  	v22 =	vor.u32 $0x280, v2;
	s11 =	sand.u32 $0x3C00, s2;
	s20 =	sor.u32 $0x280, s9;
	s6 =	sand.u32 $0x40, s3;
	v10 =	vld.idx.msk [tilespmem:v7+s18+$0x0], $0xffff  }
0x248: {  	v23 =	vor.u32 $0x280, v1;
	s6 =	sor.u32 s6, s11;
	v13 =	vld.idx.msk [tilespmem:v6+s18+$0x0], $0xffff;
	[tilespmem:s20+$0x15000] =	vst v11  }
.Ltmp5:
0x249: {  	[tilespmem:s6+$0x15000] =	vst v16;
	v14 =	vld.idx.msk [tilespmem:v9+s18+$0x0], $0xffff;
	(pc) =	sbr.rel @p2 .LBB2_9-.Ltmp5, $4  }
0x24a: {  	v16 =	vld.idx.msk [tilespmem:v17+s18+$0x0], $0xffff;
	[tilespmem:s14+$0x15000] =	vst v12  }
0x24b: {  	v15 =	vor.u32 $0x380, v4;
	v4 =	vmov v18;
	v11 =	vld.idx.msk [tilespmem:v21+s18+$0x0], $0xffff;
	[tilespmem:s19+$0x15000] =	vst v20  }
0x24c: {  	v17 =	vor.u32 $0x100, v4;
	v12 =	vld.idx.msk [tilespmem:v22+s18+$0x0], $0xffff;
	[tilespmem:s21+$0x15000] =	vst v19  }
0x24d: {  	s25 =	sadd.s32 $0x40, s25;
	v18 =	vor.u32 $0x80, v5;
	v9 =	vld.idx.msk [tilespmem:v23+s18+$0x0], $0xffff  }
0x24e: {  	v19 =	vor.u32 $0x80, v7  }
0x24f: {  	v20 =	vor.u32 $0x80, v6  }
0x250: {  	s3 =	sadd.s32 $0x15000, s6  }
0x251: {  	[tilespmem:s3+$0x10] =	vst v8  }
0x252: {  	[tilespmem:s3+$0x20] =	vst v10;
	v8 =	vld.idx.msk [tilespmem:v18+s18+$0x0], $0xffff  }
0x253: {  	v29 =	vor.u32 $0x100, v5;
	[tilespmem:s3+$0x30] =	vst v13;
	v10 =	vld.idx.msk [tilespmem:v19+s18+$0x0], $0xffff  }
0x254: {  	v31 =	vor.u32 $0x100, v7;
	v30 =	vld.idx.msk [tilespmem:v20+s18+$0x0], $0xffff  }
0x255: {  	v32 =	vor.u32 $0x100, v6  }
0x256: {  	[tilespmem:s3+$0x80] =	vst v16  }
0x257: {  	v16 =	vld.idx.msk [tilespmem:v17+s18+$0x0], $0xffff;
	[tilespmem:s3+$0x90] =	vst v8  }
0x258: {  	v33 =	vor.u32 $0x180, v4;
	v13 =	vld.idx.msk [tilespmem:v29+s18+$0x0], $0xffff;
	[tilespmem:s3+$0xA0] =	vst v10  }
0x259: {  	v34 =	vor.u32 $0x180, v5;
	[tilespmem:s3+$0xB0] =	vst v30;
	v10 =	vld.idx.msk [tilespmem:v31+s18+$0x0], $0xffff  }
0x25a: {  	s25 =	sor.u32 $0x300, s9;
	v35 =	vor.u32 $0x180, v7;
	v36 =	vld.idx.msk [tilespmem:v32+s18+$0x0], $0xffff  }
0x25b: {  	v37 =	vor.u32 $0x180, v6;
	[tilespmem:s25+$0x15000] =	vst v14  }
0x25c: {  	[tilespmem:s3+$0x100] =	vst v16  }
0x25d: {  	v8 =	vld.idx.msk [tilespmem:v33+s18+$0x0], $0xffff;
	[tilespmem:s3+$0x110] =	vst v13  }
0x25e: {  	v38 =	vor.u32 $0x200, v4;
	v39 =	vld.idx.msk [tilespmem:v34+s18+$0x0], $0xffff;
	[tilespmem:s3+$0x120] =	vst v10  }
0x25f: {  	v40 =	vor.u32 $0x200, v5;
	[tilespmem:s3+$0x130] =	vst v36;
	v10 =	vld.idx.msk [tilespmem:v35+s18+$0x0], $0xffff  }
0x260: {  	v42 =	vor.u32 $0x200, v7;
	[tilespmem:s4+$0x15000] =	vst v11;
	v41 =	vld.idx.msk [tilespmem:v37+s18+$0x0], $0xffff  }
0x261: {  	v43 =	vor.u32 $0x200, v6;
	[tilespmem:s1+$0x15000] =	vst v12  }
0x262: {  	v44 =	vor.u32 $0x300, v3;
	v15 =	vld.idx.msk [tilespmem:v15+s18+$0x0], $0xffff;
	[tilespmem:s3+$0x180] =	vst v8  }
0x263: {  	v45 =	vor.u32 $0x300, v2;
	p1 =	por !p1, !p1;
	s1 =	simm.s32 $0x1;
	v13 =	vld.idx.msk [tilespmem:v38+s18+$0x0], $0xffff;
	[tilespmem:s3+$0x190] =	vst v39  }
0x264: {  	v46 =	vor.u32 $0x280, v4;
	s1 =	simm.s32 @!p1 $0x0;
	v47 =	vld.idx.msk [tilespmem:v40+s18+$0x0], $0xffff;
	[tilespmem:s3+$0x1A0] =	vst v10  }
0x265: {  	v48 =	vor.u32 $0x280, v5;
	s1 =	sshll.u32 s1, $0x6;
	[tilespmem:s3+$0x1B0] =	vst v41;
	v14 =	vld.idx.msk [tilespmem:v42+s18+$0x0], $0xffff  }
0x266: {  	s31 =	sor.u32 $0x380, s9;
	v49 =	vor.u32 $0x280, v7;
	[tilespmem:s12+$0x15000] =	vst v9;
	s1 =	sadd.s32 s1, s2;
	v12 =	vld.idx.msk [tilespmem:v43+s18+$0x0], $0xffff  }
0x267: {  	v51 =	vor.u32 $0x280, v6;
	v50 =	vld.idx.msk [tilespmem:v44+s18+$0x0], $0xffff;
	[tilespmem:s31+$0x15000] =	vst v15;
	s6 =	sor.u32 $0x200, s1;
	s2 =	sadd.s32 $0x10, s1  }
0x268: {  	v52 =	vor.u32 $0x300, v1;
	s9 =	sadd.s32 $0x20, s1;
	s22 =	sor.u32 $0x200, s2;
	v8 =	vld.idx.msk [tilespmem:v45+s18+$0x0], $0xffff;
	[tilespmem:s6+$0x15000] =	vst v13  }
0x269: {  	v3 =	vor.u32 $0x380, v3;
	s25 =	sadd.s32 $0x30, s1;
	s24 =	sor.u32 $0x200, s9;
	v13 =	vld.idx.msk [tilespmem:v46+s18+$0x0], $0xffff;
	[tilespmem:s22+$0x15000] =	vst v47  }
0x26a: {  	v53 =	vor.u32 $0x300, v4;
	s31 =	sor.u32 $0x200, s25;
	v11 =	vld.idx.msk [tilespmem:v48+s18+$0x0], $0xffff;
	[tilespmem:s24+$0x15000] =	vst v14  }
0x26b: {  	v54 =	vor.u32 $0x300, v5;
	[tilespmem:s31+$0x15000] =	vst v12;
	v14 =	vld.idx.msk [tilespmem:v49+s18+$0x0], $0xffff  }
0x26c: {  	v55 =	vor.u32 $0x300, v7;
	[tilespmem:s7+$0x15000] =	vst v50;
	v9 =	vld.idx.msk [tilespmem:v51+s18+$0x0], $0xffff  }
0x26d: {  	v57 =	vor.u32 $0x300, v6;
	v56 =	vld.idx.msk [tilespmem:v52+s18+$0x0], $0xffff;
	s11 =	sor.u32 $0x280, s1;
	[tilespmem:s13+$0x15000] =	vst v8  }
0x26e: {  	v2 =	vor.u32 $0x380, v2;
	s12 =	sor.u32 $0x280, s2;
	v3 =	vld.idx.msk [tilespmem:v3+s18+$0x0], $0xffff;
	[tilespmem:s11+$0x15000] =	vst v13  }
0x26f: {  	v1 =	vor.u32 $0x380, v1;
	s13 =	sor.u32 $0x280, s9;
	v10 =	vld.idx.msk [tilespmem:v53+s18+$0x0], $0xffff;
	[tilespmem:s12+$0x15000] =	vst v11  }
0x270: {  	v58 =	vor.u32 $0x380, v4;
	s14 =	sor.u32 $0x280, s25;
	v11 =	vld.idx.msk [tilespmem:v54+s18+$0x0], $0xffff;
	[tilespmem:s13+$0x15000] =	vst v14  }
0x271: {  	v60 =	vor.u32 $0x380, v5;
	[tilespmem:s14+$0x15000] =	vst v9;
	v59 =	vld.idx.msk [tilespmem:v55+s18+$0x0], $0xffff  }
0x272: {  	v61 =	vor.u32 $0x380, v7;
	[tilespmem:s8+$0x15000] =	vst v56;
	v62 =	vld.idx.msk [tilespmem:v57+s18+$0x0], $0xffff  }
0x273: {  	s15 =	sor.u32 $0x300, s1;
	[tilespmem:s16+$0x15000] =	vst v3;
	v3 =	vor.u32 $0x380, v6;
	v2 =	vld.idx.msk [tilespmem:v2+s18+$0x0], $0xffff  }
0x274: {  	v1 =	vld.idx.msk [tilespmem:v1+s18+$0x0], $0xffff;
	s16 =	sor.u32 $0x300, s2;
	[tilespmem:s15+$0x15000] =	vst v10  }
0x275: {  	s19 =	sor.u32 $0x300, s9;
	v4 =	vld.idx.msk [tilespmem:v58+s18+$0x0], $0xffff;
	[tilespmem:s16+$0x15000] =	vst v11  }
0x276: {  	s20 =	sor.u32 $0x300, s25;
	v5 =	vld.idx.msk [tilespmem:v60+s18+$0x0], $0xffff;
	[tilespmem:s19+$0x15000] =	vst v59  }
0x277: {  	[tilespmem:s20+$0x15000] =	vst v62;
	v63 =	vld.idx.msk [tilespmem:v61+s18+$0x0], $0xffff  }
0x278: {  	[tilespmem:s30+$0x15000] =	vst v2;
	v2 =	vld.idx.msk [tilespmem:v3+s18+$0x0], $0xffff  }
0x279: {  	s21 =	sor.u32 $0x380, s1;
	[tilespmem:s0+$0x15000] =	vst v1  }
.Ltmp6:
0x27a: {  	s22 =	sor.u32 $0x380, s2;
	[tilespmem:s21+$0x15000] =	vst v4;
	(pc) =	sbr.rel @p0 .LBB2_12-.Ltmp6, $4  }
0x27b: {  	s24 =	sor.u32 $0x380, s9;
	[tilespmem:s22+$0x15000] =	vst v5  }
0x27c: {  	s25 =	sor.u32 $0x380, s25;
	[tilespmem:s24+$0x15000] =	vst v63  }
0x27d: {  	s30 =	sadd.s32 s29, s10;
	s31 =	simm.s32 $0x15000;
	[tilespmem:s25+$0x15000] =	vst v2  }
0x27e: {  	[hbm4b:s30+s5] =	stream.linear.scatter [tilespmem:s31], [sflag:$0x4], $0x4000, $0x38;
	[tilespmem:$0x19200] =	vst v63  }
.Ltmp7:
0x27f: {  	s0 =	rddreg [dreg:$0xa];
	(pc) =	sbr.rel .LBB2_2-.Ltmp7, $4  }
0x280: {  	s0 =	sadd.s32 s28, s0  }
0x281: {  	s1 =	rddreg [dreg:$0x0];
	s0 =	sshll.u32 s0, $0xC  }
0x282: {  	s26 =	sadd.s32 $0x1, s26;
	s0 =	sadd.s32 s1, s0  }
0x283: {  	[tilespmem:s18], [sflag:$0x2] =	stream.linear.gather [hbm4b:s0+s5], $0x8000, $0x38;
	[tilespmem:$0x19200] =	vst v63  }
.LBB2_13:
0x284: {  	_ =	sfence.sel $0x180000  }
0x285: {  	[bflag:$0x0] =	sbarrier.arrive $0xFFFF  }
0x286: {  	_ =	strace $0x90000047  }
0x287: {  	s0 =	stileid.u32;
	[bflag:$0x2] =	sbarrier.arrive $0xFFFF  }
0x288: {  	p0 =	sne.s32 s0, $0x0;
	s0 =	rddreg [dreg:$0x4]  }
0x289: {  	s0 =	sadd.s32 @!p0 $0x100000, s0  }
0x28a: {  	[sflag:s0] =	ssyncadd.tile.s32 @!p0 $0x1;
	_ =	shalt  }
.Lfunc_end2:
_tile_overlayer_lowered:
.L_overlay_start_2:
0x28b: {  	(tag) =	ssettag $0x2  }
0x28c: {  	s0 =	rddreg [dreg:$0x0];
	s2 =	stileid.u32  }
0x28d: {  	s1 =	rddreg [dreg:$0x1];
	p0 =	sne.s32 s2, $0x0  }
0x28e: {  	s3 =	rddreg [dreg:$0x2];
	[bflag:$0x3] =	sbarrier.arrive $0xFFFF;
	s2 =	simm.s32 @!p0 $0x1C05  }
0x28f: {  	[timem:s3], [sflag:s2] =	dma.local @!p0 [hbm:s0], s1  }
0x290: {  	s0 =	simm.s32 @!p0 $0x5  }
0x291: {  	_ =	swait.ge @!p0 [sflag:s0], s1  }
0x292: {  	s1 =	ssub.s32 @!p0 $0x0, s1;
	[sflag:s0] =	ssyncset.done @!p0 $0x0  }
0x293: {  	[sflag:s0] =	ssyncadd.s32 @!p0 s1  }
0x294: {  	[bflag:$0x3] =	sbarrier.arrive $0xFFFF  }
0x295: {  	_ =	shalt  }

</sc_bundles>
